<compile_context>
chip_gen: v7x
topology: tpu7x:2x2x1
jax: 0.10.2.dev20260603
libtpu: 0.0.44.dev20260713+nightly
codegen_flags: <defaults>
</compile_context>

<pallas_src>
import functools

import jax
import jax.numpy as jnp
from jax import lax
from jax.experimental import pallas as pl
from jax.experimental.pallas import tpu as pltpu
from jax.experimental.pallas import tpu_sc as plsc

N_NODES = 10000
D = 128
N_EDGES = 320000

NC = 2
NS = 16
NPD = 10240
CHUNK = 125
TOT_CHUNKS = 2560
RING = 40
TILE_CHUNKS = TOT_CHUNKS // (NC * NS)
DEG_CHUNKS = TILE_CHUNKS
RPT = 632
DROWS_PER_TILE = NPD // NS

_mesh = plsc.VectorSubcoreMesh(core_axis_name="c", subcore_axis_name="s")


@functools.partial(
    pl.kernel,
    out_type=jax.ShapeDtypeStruct((NC, NPD), jnp.float32),
    mesh=_mesh,
    scratch_types=[
        pltpu.VMEM((DEG_CHUNKS, CHUNK), jnp.int32),
        pltpu.VMEM((128,), jnp.float32),
        pltpu.VMEM_SHARED((NPD,), jnp.float32),
        pltpu.SemaphoreType.DMA,
    ],
)
def _deg_kernel(dst_hbm, zeros1_hbm, degp_hbm, dstv, ones_v, deg_sp, dsem):
    cid = lax.axis_index("c")
    sid = lax.axis_index("s")
    wid = cid * NS + sid
    pltpu.sync_copy(dst_hbm.at[pl.ds(wid * DEG_CHUNKS, DEG_CHUNKS)], dstv)
    pltpu.sync_copy(
        zeros1_hbm.at[pl.ds(sid * DROWS_PER_TILE, DROWS_PER_TILE)],
        deg_sp.at[pl.ds(sid * DROWS_PER_TILE, DROWS_PER_TILE)],
    )
    for k in range(128 // 16):
        ones_v[pl.ds(k * 16, 16)] = jnp.full((16,), 1.0, jnp.float32)
    plsc.subcore_barrier()

    def body(j, carry):
        pltpu.async_copy(ones_v.at[pl.ds(0, CHUNK)], deg_sp.at[dstv.at[j]],
                         dsem, add=True)
        return carry

    lax.fori_loop(0, DEG_CHUNKS, body, 0)

    def drain(j, carry):
        pltpu.make_async_copy(ones_v.at[pl.ds(0, CHUNK)],
                              deg_sp.at[dstv.at[j]], dsem).wait()
        return carry

    lax.fori_loop(0, DEG_CHUNKS, drain, 0)
    plsc.subcore_barrier()
    pltpu.sync_copy(
        deg_sp.at[pl.ds(sid * DROWS_PER_TILE, DROWS_PER_TILE)],
        degp_hbm.at[cid, pl.ds(sid * DROWS_PER_TILE, DROWS_PER_TILE)],
    )


@functools.partial(
    pl.kernel,
    out_type=jax.ShapeDtypeStruct((NC, N_NODES, D), jnp.float32),
    mesh=_mesh,
    scratch_types=[
        pltpu.VMEM((RING, CHUNK), jnp.int32),
        pltpu.VMEM((RING, CHUNK), jnp.int32),
        pltpu.VMEM((CHUNK, D), jnp.float32),
        pltpu.VMEM((CHUNK, D), jnp.float32),
        pltpu.VMEM_SHARED((N_NODES, D), jnp.float32),
        pltpu.SemaphoreType.DMA,
        pltpu.SemaphoreType.DMA,
    ],
)
def _msg_kernel(src_hbm, dst_hbm, g2_hbm, zeros2_hbm, outp_hbm,
                srcv, dstv, buf0, buf1, acc_sp, sem0, sem1):
    cid = lax.axis_index("c")
    sid = lax.axis_index("s")
    g_hbm = g2_hbm
    chunk0 = (cid * NS + sid) * TILE_CHUNKS
    @pl.when(sid < NS - 1)
    def _():
        pltpu.sync_copy(zeros2_hbm.at[pl.ds(sid * RPT, RPT)],
                        acc_sp.at[pl.ds(sid * RPT, RPT)])

    @pl.when(sid == NS - 1)
    def _():
        pltpu.sync_copy(zeros2_hbm.at[pl.ds((NS - 1) * RPT, N_NODES - (NS - 1) * RPT)],
                        acc_sp.at[pl.ds((NS - 1) * RPT, N_NODES - (NS - 1) * RPT)])

    plsc.subcore_barrier()

    def ring_body(s, carry):
        base = chunk0 + s * RING
        pltpu.sync_copy(src_hbm.at[pl.ds(base, RING)], srcv)
        pltpu.sync_copy(dst_hbm.at[pl.ds(base, RING)], dstv)
        pltpu.make_async_copy(g_hbm.at[srcv.at[0]], buf0, sem0).start()

        def body(j, inner):
            c0 = 2 * j
            c1 = 2 * j + 1
            pltpu.make_async_copy(g_hbm.at[srcv.at[c1]], buf1, sem1).start()
            pltpu.make_async_copy(g_hbm.at[srcv.at[c0]], buf0, sem0).wait()
            pltpu.sync_copy(buf0, acc_sp.at[dstv.at[c0]], add=True)

            @pl.when(c0 + 2 < RING)
            def _():
                pltpu.make_async_copy(g_hbm.at[srcv.at[c0 + 2]], buf0,
                                      sem0).start()

            pltpu.make_async_copy(g_hbm.at[srcv.at[c1]], buf1, sem1).wait()
            pltpu.sync_copy(buf1, acc_sp.at[dstv.at[c1]], add=True)
            return inner

        lax.fori_loop(0, RING // 2, body, 0)
        return carry

    lax.fori_loop(0, TILE_CHUNKS // RING, ring_body, 0)
    plsc.subcore_barrier()

    @pl.when(sid < NS - 1)
    def _():
        pltpu.sync_copy(acc_sp.at[pl.ds(sid * RPT, RPT)],
                        outp_hbm.at[cid, pl.ds(sid * RPT, RPT)])

    @pl.when(sid == NS - 1)
    def _():
        pltpu.sync_copy(acc_sp.at[pl.ds((NS - 1) * RPT, N_NODES - (NS - 1) * RPT)],
                        outp_hbm.at[cid, pl.ds((NS - 1) * RPT, N_NODES - (NS - 1) * RPT)])


_BLK = 2000
_GRID = N_NODES // _BLK


def _scale_body(x_ref, w_ref, d0_ref, d1_ref, g2_ref, dinv_ref):
    deg = d0_ref[...] + d1_ref[...] + 1.0
    dinv = lax.rsqrt(deg)
    h = jnp.dot(x_ref[...], w_ref[...], preferred_element_type=jnp.float32)
    g2_ref[...] = h * dinv
    dinv_ref[...] = dinv


def _scale_call(x, w, d0, d1):
    return pl.pallas_call(
        _scale_body,
        grid=(_GRID,),
        in_specs=[
            pl.BlockSpec((_BLK, D), lambda i: (i, 0)),
            pl.BlockSpec((D, D), lambda i: (0, 0)),
            pl.BlockSpec((_BLK, 1), lambda i: (i, 0)),
            pl.BlockSpec((_BLK, 1), lambda i: (i, 0)),
        ],
        out_specs=[
            pl.BlockSpec((_BLK, D), lambda i: (i, 0)),
            pl.BlockSpec((_BLK, 1), lambda i: (i, 0)),
        ],
        out_shape=[
            jax.ShapeDtypeStruct((N_NODES, D), jnp.float32),
            jax.ShapeDtypeStruct((N_NODES, 1), jnp.float32),
        ],
    )(x, w, d0, d1)


def _combine_body(p_ref, g_ref, dinv_ref, b_ref, o_ref):
    s = (p_ref[0] + p_ref[1] + g_ref[...]) * dinv_ref[...]
    o_ref[...] = jnp.maximum(s + b_ref[...], 0.0)


def _combine_call(partials, g, dinv, b2):
    return pl.pallas_call(
        _combine_body,
        grid=(_GRID,),
        in_specs=[
            pl.BlockSpec((NC, _BLK, D), lambda i: (0, i, 0)),
            pl.BlockSpec((_BLK, D), lambda i: (i, 0)),
            pl.BlockSpec((_BLK, 1), lambda i: (i, 0)),
            pl.BlockSpec((1, D), lambda i: (0, 0)),
        ],
        out_specs=pl.BlockSpec((_BLK, D), lambda i: (i, 0)),
        out_shape=jax.ShapeDtypeStruct((N_NODES, D), jnp.float32),
    )(partials, g, dinv, b2)


def kernel(x, edge_index, W, b):
    src2 = edge_index[0].astype(jnp.int32).reshape(TOT_CHUNKS, CHUNK)
    dst2 = edge_index[1].astype(jnp.int32).reshape(TOT_CHUNKS, CHUNK)

    zeros1 = jnp.zeros((NPD,), jnp.float32)
    zeros2 = jnp.zeros((N_NODES, D), jnp.float32)

    degp = _deg_kernel(dst2, zeros1)
    d0 = degp[0, :N_NODES].reshape(N_NODES, 1)
    d1 = degp[1, :N_NODES].reshape(N_NODES, 1)
    g2, dinv = _scale_call(x, W, d0, d1)

    partials = _msg_kernel(src2, dst2, g2, zeros2)

    return _combine_call(partials, g2, dinv, b.reshape(1, D))

# --- scband reference (transcript-rebuilt; emitter-appended) ---
"""Pipeline reference for scband-layer-wise-ca-fo-gnn-5368709120477 (READ-ONLY COPY).

The authoritative reference and input builder live on the scoring server;
editing this copy changes nothing except your own understanding.
"""

import jax, jax.numpy as jnp
import numpy as np

N_NODES = 10000
D_IN = 128
D_OUT = 128
N_EDGES = 320000


def setup_inputs(seed: int = 0) -> dict:
    key = jax.random.key(seed)
    k1, k2, k3, k4 = jax.random.split(key, 4)
    x = jax.random.normal(k1, (N_NODES, D_IN), dtype=jnp.float32)
    edge_index = jax.random.randint(k2, (2, N_EDGES), 0, N_NODES, dtype=jnp.int64)
    # GCNConv weight (glorot-style) and bias
    W = jax.random.normal(k3, (D_IN, D_OUT), dtype=jnp.float32) * (1.0 / np.sqrt(D_IN))
    b = jnp.zeros((D_OUT,), dtype=jnp.float32)
    return {"x": x, "edge_index": edge_index, "W": W, "b": b}


def _gcn_conv(x, edge_index, W, b):
    # Faithful GCNConv: add self-loops, symmetric normalization, linear transform,
    # scatter-add aggregation over edges, then bias.
    N = x.shape[0]
    src = edge_index[0]
    dst = edge_index[1]
    loop = jnp.arange(N, dtype=src.dtype)
    src = jnp.concatenate([src, loop], axis=0)
    dst = jnp.concatenate([dst, loop], axis=0)
    deg = jnp.zeros((N,), dtype=x.dtype).at[dst].add(1.0)
    dinv = 1.0 / jnp.sqrt(jnp.clip(deg, 1.0))
    norm = dinv[src] * dinv[dst]
    h = x @ W
    msg = h[src] * norm[:, None]
    out = jnp.zeros((N, W.shape[1]), dtype=x.dtype).at[dst].add(msg)
    return out + b[None, :]


def reference(x, edge_index, W, b):
    # GNNCaFoBlock.forward: features = gnn_layer(x, edge_index); gnn_layer has no
    # 'activation' attribute, so F.relu is applied.
    features = _gcn_conv(x, edge_index, W, b)
    return jax.nn.relu(features)

if __name__ == "__main__":
    import jax
    _d = setup_inputs()
    print(jax.jit(kernel)(*tuple(_d.values())))

</pallas_src>

<mosaic_0001>
#map = affine_map<(d0, d1) -> (0, 0)>
#map1 = affine_map<(d0, d1) -> (0, 0, 0)>
module attributes {stable_mosaic.version = 14 : i64} {
  func.func @_msg_kernel(%arg0: i32, %arg1: i32, %arg2: memref<2560x125xi32, #tpu.memory_space<hbm>>, %arg3: memref<2560x125xi32, #tpu.memory_space<hbm>>, %arg4: memref<10000x128xf32, #tpu.memory_space<hbm>>, %arg5: memref<10000x128xf32, #tpu.memory_space<hbm>>, %arg6: memref<2x10000x128xf32, #tpu.memory_space<hbm>>, %arg7: memref<40x125xi32, #tpu.memory_space<vmem>>, %arg8: memref<40x125xi32, #tpu.memory_space<vmem>>, %arg9: memref<125x128xf32, #tpu.memory_space<vmem>>, %arg10: memref<125x128xf32, #tpu.memory_space<vmem>>, %arg11: memref<10000x128xf32, #tpu.memory_space<vmem_shared>>, %arg12: memref<!tpu.dma_semaphore, #tpu.memory_space<semaphore_mem>>, %arg13: memref<!tpu.dma_semaphore, #tpu.memory_space<semaphore_mem>>) attributes {dimension_semantics = [#tpu.dimension_semantics<core_parallel>, #tpu.dimension_semantics<subcore_parallel>], iteration_bounds = array<i64: 2, 16>, scalar_prefetch = 0 : i64, scratch_operands = 7 : i64, tpu.core_type = #tpu.core_type<sc_vector_subcore>, window_params = [{transform_indices = #map}, {transform_indices = #map}, {transform_indices = #map}, {transform_indices = #map}, {transform_indices = #map1}]} {
    %mul3A = arith.constant 16 : i32
    %mul3A_0 = arith.muli %arg0, %mul3A : i32
    %add3A = arith.addi %mul3A_0, %arg1 : i32
    %mul3A_1 = arith.constant 80 : i32
    %mul3A_2 = arith.muli %add3A, %mul3A_1 : i32
    %lt3A = arith.constant 15 : i32
    %lt3A_3 = arith.cmpi slt, %arg1, %lt3A : i32
    %convert_element_type3A = arith.extui %lt3A_3 : i1 to i32
    %cond3A = arith.constant 0 : i32
    %cond3A_4 = arith.cmpi ne, %convert_element_type3A, %cond3A : i32
    scf.if %cond3A_4 {
      %mul3A_25 = arith.constant 632 : i32
      %mul3A_26 = arith.muli %arg1, %mul3A_25 : i32
      %mul3A_27 = arith.constant 632 : i32
      %mul3A_28 = arith.muli %arg1, %mul3A_27 : i32
      "tpu.region"() ({
        %run_scoped3A = tpu.sem_alloc : memref<!tpu.dma_semaphore, #tpu.memory_space<semaphore_mem>>
        %dma_start3A = arith.constant 0 : i32
        %dma_start3A_29 = tpu.memref_slice %arg11[%mul3A_28, %dma_start3A] : memref<10000x128xf32, #tpu.memory_space<vmem_shared>> -> memref<632x128xf32, #tpu.memory_space<vmem_shared>>
        %dma_start3A_30 = arith.constant 0 : i32
        %dma_start3A_31 = tpu.memref_slice %arg5[%mul3A_26, %dma_start3A_30] : memref<10000x128xf32, #tpu.memory_space<hbm>> -> memref<632x128xf32, #tpu.memory_space<hbm>>
        tpu.enqueue_dma source(%dma_start3A_31 : memref<632x128xf32, #tpu.memory_space<hbm>>) target(%dma_start3A_29 : memref<632x128xf32, #tpu.memory_space<vmem_shared>>) target_semaphore(%run_scoped3A : memref<!tpu.dma_semaphore, #tpu.memory_space<semaphore_mem>>)
        %dma_wait3A = arith.constant 0 : i32
        %dma_wait3A_32 = tpu.memref_slice %arg11[%mul3A_28, %dma_wait3A] : memref<10000x128xf32, #tpu.memory_space<vmem_shared>> -> memref<632x128xf32, #tpu.memory_space<vmem_shared>>
        %dma_wait3A_33 = arith.constant 0 : i32
        %dma_wait3A_34 = tpu.memref_slice %arg5[%mul3A_26, %dma_wait3A_33] : memref<10000x128xf32, #tpu.memory_space<hbm>> -> memref<632x128xf32, #tpu.memory_space<hbm>>
        tpu.wait_dma2 semaphore(%run_scoped3A : memref<!tpu.dma_semaphore, #tpu.memory_space<semaphore_mem>>) src(%dma_wait3A_34 : memref<632x128xf32, #tpu.memory_space<hbm>>) dst(%dma_wait3A_32 : memref<632x128xf32, #tpu.memory_space<vmem_shared>>)
        tpu.yield
      }) : () -> ()
    } else {
    }
    %eq3A = arith.constant 15 : i32
    %eq3A_5 = arith.cmpi eq, %arg1, %eq3A : i32
    %convert_element_type3A_6 = arith.extui %eq3A_5 : i1 to i32
    %cond3A_7 = arith.constant 0 : i32
    %cond3A_8 = arith.cmpi ne, %convert_element_type3A_6, %cond3A_7 : i32
    scf.if %cond3A_8 {
      "tpu.region"() ({
        %run_scoped3A = tpu.sem_alloc : memref<!tpu.dma_semaphore, #tpu.memory_space<semaphore_mem>>
        %dma_start3A = arith.constant 9480 : i32
        %dma_start3A_25 = arith.constant 0 : i32
        %dma_start3A_26 = tpu.memref_slice %arg11[%dma_start3A, %dma_start3A_25] : memref<10000x128xf32, #tpu.memory_space<vmem_shared>> -> memref<520x128xf32, #tpu.memory_space<vmem_shared>>
        %dma_start3A_27 = arith.constant 9480 : i32
        %dma_start3A_28 = arith.constant 0 : i32
        %dma_start3A_29 = tpu.memref_slice %arg5[%dma_start3A_27, %dma_start3A_28] : memref<10000x128xf32, #tpu.memory_space<hbm>> -> memref<520x128xf32, #tpu.memory_space<hbm>>
        tpu.enqueue_dma source(%dma_start3A_29 : memref<520x128xf32, #tpu.memory_space<hbm>>) target(%dma_start3A_26 : memref<520x128xf32, #tpu.memory_space<vmem_shared>>) target_semaphore(%run_scoped3A : memref<!tpu.dma_semaphore, #tpu.memory_space<semaphore_mem>>)
        %dma_wait3A = arith.constant 9480 : i32
        %dma_wait3A_30 = arith.constant 0 : i32
        %dma_wait3A_31 = tpu.memref_slice %arg11[%dma_wait3A, %dma_wait3A_30] : memref<10000x128xf32, #tpu.memory_space<vmem_shared>> -> memref<520x128xf32, #tpu.memory_space<vmem_shared>>
        %dma_wait3A_32 = arith.constant 9480 : i32
        %dma_wait3A_33 = arith.constant 0 : i32
        %dma_wait3A_34 = tpu.memref_slice %arg5[%dma_wait3A_32, %dma_wait3A_33] : memref<10000x128xf32, #tpu.memory_space<hbm>> -> memref<520x128xf32, #tpu.memory_space<hbm>>
        tpu.wait_dma2 semaphore(%run_scoped3A : memref<!tpu.dma_semaphore, #tpu.memory_space<semaphore_mem>>) src(%dma_wait3A_34 : memref<520x128xf32, #tpu.memory_space<hbm>>) dst(%dma_wait3A_31 : memref<520x128xf32, #tpu.memory_space<vmem_shared>>)
        tpu.yield
      }) : () -> ()
    } else {
    }
    %barrier3A = arith.constant 0 : index
    tpu.barrier barrier_id(%barrier3A)
    %scan3A = arith.constant 0 : i32
    %scan3A_9 = arith.constant 0 : i32
    %scan3A_10 = arith.constant 2 : i32
    %scan3A_11 = arith.addi %scan3A_9, %scan3A_10 : i32
    %scan3A_12 = arith.constant 1 : i32
    scf.for %scan3A_25 = %scan3A_9 to %scan3A_11 step %scan3A_12  : i32 {
      %mul3A_26 = arith.constant 40 : i32
      %mul3A_27 = arith.muli %scan3A_25, %mul3A_26 : i32
      %add3A_28 = arith.addi %mul3A_2, %mul3A_27 : i32
      "tpu.region"() ({
        %run_scoped3A = tpu.sem_alloc : memref<!tpu.dma_semaphore, #tpu.memory_space<semaphore_mem>>
        %dma_start3A_41 = arith.constant 0 : i32
        %dma_start3A_42 = tpu.memref_slice %arg2[%add3A_28, %dma_start3A_41] : memref<2560x125xi32, #tpu.memory_space<hbm>> -> memref<40x125xi32, #tpu.memory_space<hbm>>
        %dma_start3A_43 = arith.constant 0 : i32
        %dma_start3A_44 = tpu.memref_slice %arg2[%add3A_28, %dma_start3A_43] : memref<2560x125xi32, #tpu.memory_space<hbm>> -> memref<40x125xi32, #tpu.memory_space<hbm>>
        tpu.enqueue_dma source(%dma_start3A_44 : memref<40x125xi32, #tpu.memory_space<hbm>>) target(%arg7 : memref<40x125xi32, #tpu.memory_space<vmem>>) target_semaphore(%run_scoped3A : memref<!tpu.dma_semaphore, #tpu.memory_space<semaphore_mem>>)
        %dma_wait3A = arith.constant 0 : i32
        %dma_wait3A_45 = tpu.memref_slice %arg2[%add3A_28, %dma_wait3A] : memref<2560x125xi32, #tpu.memory_space<hbm>> -> memref<40x125xi32, #tpu.memory_space<hbm>>
        %dma_wait3A_46 = arith.constant 0 : i32
        %dma_wait3A_47 = tpu.memref_slice %arg2[%add3A_28, %dma_wait3A_46] : memref<2560x125xi32, #tpu.memory_space<hbm>> -> memref<40x125xi32, #tpu.memory_space<hbm>>
        tpu.wait_dma2 semaphore(%run_scoped3A : memref<!tpu.dma_semaphore, #tpu.memory_space<semaphore_mem>>) src(%dma_wait3A_47 : memref<40x125xi32, #tpu.memory_space<hbm>>) dst(%arg7 : memref<40x125xi32, #tpu.memory_space<vmem>>)
        tpu.yield
      }) : () -> ()
      "tpu.region"() ({
        %run_scoped3A = tpu.sem_alloc : memref<!tpu.dma_semaphore, #tpu.memory_space<semaphore_mem>>
        %dma_start3A_41 = arith.constant 0 : i32
        %dma_start3A_42 = tpu.memref_slice %arg3[%add3A_28, %dma_start3A_41] : memref<2560x125xi32, #tpu.memory_space<hbm>> -> memref<40x125xi32, #tpu.memory_space<hbm>>
        %dma_start3A_43 = arith.constant 0 : i32
        %dma_start3A_44 = tpu.memref_slice %arg3[%add3A_28, %dma_start3A_43] : memref<2560x125xi32, #tpu.memory_space<hbm>> -> memref<40x125xi32, #tpu.memory_space<hbm>>
        tpu.enqueue_dma source(%dma_start3A_44 : memref<40x125xi32, #tpu.memory_space<hbm>>) target(%arg8 : memref<40x125xi32, #tpu.memory_space<vmem>>) target_semaphore(%run_scoped3A : memref<!tpu.dma_semaphore, #tpu.memory_space<semaphore_mem>>)
        %dma_wait3A = arith.constant 0 : i32
        %dma_wait3A_45 = tpu.memref_slice %arg3[%add3A_28, %dma_wait3A] : memref<2560x125xi32, #tpu.memory_space<hbm>> -> memref<40x125xi32, #tpu.memory_space<hbm>>
        %dma_wait3A_46 = arith.constant 0 : i32
        %dma_wait3A_47 = tpu.memref_slice %arg3[%add3A_28, %dma_wait3A_46] : memref<2560x125xi32, #tpu.memory_space<hbm>> -> memref<40x125xi32, #tpu.memory_space<hbm>>
        tpu.wait_dma2 semaphore(%run_scoped3A : memref<!tpu.dma_semaphore, #tpu.memory_space<semaphore_mem>>) src(%dma_wait3A_47 : memref<40x125xi32, #tpu.memory_space<hbm>>) dst(%arg8 : memref<40x125xi32, #tpu.memory_space<vmem>>)
        tpu.yield
      }) : () -> ()
      %dma_start3A = arith.constant 0 : i32
      %dma_start3A_29 = arith.constant 0 : i32
      %dma_start3A_30 = tpu.memref_slice %arg7[%dma_start3A, %dma_start3A_29] : memref<40x125xi32, #tpu.memory_space<vmem>> -> memref<1x125xi32, #tpu.memory_space<vmem>>
      %dma_start3A_31 = tpu.memref_squeeze %dma_start3A_30 : memref<1x125xi32, #tpu.memory_space<vmem>> -> memref<125xi32, #tpu.memory_space<vmem>>
      %dma_start3A_32 = arith.constant 0 : i32
      %dma_start3A_33 = arith.constant 0 : i32
      %dma_start3A_34 = tpu.memref_slice %arg4[%dma_start3A_32, %dma_start3A_33] : memref<10000x128xf32, #tpu.memory_space<hbm>> -> memref<10000x128xf32, #tpu.memory_space<hbm>>
      tpu.enqueue_indirect_dma source(%dma_start3A_34 : memref<10000x128xf32, #tpu.memory_space<hbm>>) target(%arg9 : memref<125x128xf32, #tpu.memory_space<vmem>>) offsets(%dma_start3A_31 : memref<125xi32, #tpu.memory_space<vmem>>) semaphore(%arg12 : memref<!tpu.dma_semaphore, #tpu.memory_space<semaphore_mem>>)
      %scan3A_35 = arith.constant 0 : i32
      %scan3A_36 = arith.constant 0 : i32
      %scan3A_37 = arith.constant 20 : i32
      %scan3A_38 = arith.addi %scan3A_36, %scan3A_37 : i32
      %scan3A_39 = arith.constant 1 : i32
      scf.for %scan3A_41 = %scan3A_36 to %scan3A_38 step %scan3A_39  : i32 {
        %mul3A_42 = arith.constant 2 : i32
        %mul3A_43 = arith.muli %mul3A_42, %scan3A_41 : i32
        %mul3A_44 = arith.constant 2 : i32
        %mul3A_45 = arith.muli %mul3A_44, %scan3A_41 : i32
        %add3A_46 = arith.constant 1 : i32
        %add3A_47 = arith.addi %mul3A_45, %add3A_46 : i32
        %dma_start3A_48 = arith.constant 0 : i32
        %dma_start3A_49 = tpu.memref_slice %arg7[%add3A_47, %dma_start3A_48] : memref<40x125xi32, #tpu.memory_space<vmem>> -> memref<1x125xi32, #tpu.memory_space<vmem>>
        %dma_start3A_50 = tpu.memref_squeeze %dma_start3A_49 : memref<1x125xi32, #tpu.memory_space<vmem>> -> memref<125xi32, #tpu.memory_space<vmem>>
        %dma_start3A_51 = arith.constant 0 : i32
        %dma_start3A_52 = arith.constant 0 : i32
        %dma_start3A_53 = tpu.memref_slice %arg4[%dma_start3A_51, %dma_start3A_52] : memref<10000x128xf32, #tpu.memory_space<hbm>> -> memref<10000x128xf32, #tpu.memory_space<hbm>>
        tpu.enqueue_indirect_dma source(%dma_start3A_53 : memref<10000x128xf32, #tpu.memory_space<hbm>>) target(%arg10 : memref<125x128xf32, #tpu.memory_space<vmem>>) offsets(%dma_start3A_50 : memref<125xi32, #tpu.memory_space<vmem>>) semaphore(%arg13 : memref<!tpu.dma_semaphore, #tpu.memory_space<semaphore_mem>>)
        %dma_wait3A = arith.constant 0 : i32
        %dma_wait3A_54 = tpu.memref_slice %arg7[%mul3A_43, %dma_wait3A] : memref<40x125xi32, #tpu.memory_space<vmem>> -> memref<1x125xi32, #tpu.memory_space<vmem>>
        %dma_wait3A_55 = tpu.memref_squeeze %dma_wait3A_54 : memref<1x125xi32, #tpu.memory_space<vmem>> -> memref<125xi32, #tpu.memory_space<vmem>>
        %dma_wait3A_56 = arith.constant 0 : i32
        %dma_wait3A_57 = arith.constant 0 : i32
        %dma_wait3A_58 = tpu.memref_slice %arg4[%dma_wait3A_56, %dma_wait3A_57] : memref<10000x128xf32, #tpu.memory_space<hbm>> -> memref<10000x128xf32, #tpu.memory_space<hbm>>
        tpu.wait_indirect_dma semaphore(%arg12 : memref<!tpu.dma_semaphore, #tpu.memory_space<semaphore_mem>>) src(%dma_wait3A_58 : memref<10000x128xf32, #tpu.memory_space<hbm>>) dst(%arg9 : memref<125x128xf32, #tpu.memory_space<vmem>>)
        "tpu.region"() ({
          %run_scoped3A = tpu.sem_alloc : memref<!tpu.dma_semaphore, #tpu.memory_space<semaphore_mem>>
          %dma_start3A_72 = arith.constant 0 : i32
          %dma_start3A_73 = tpu.memref_slice %arg8[%mul3A_43, %dma_start3A_72] : memref<40x125xi32, #tpu.memory_space<vmem>> -> memref<1x125xi32, #tpu.memory_space<vmem>>
          %dma_start3A_74 = tpu.memref_squeeze %dma_start3A_73 : memref<1x125xi32, #tpu.memory_space<vmem>> -> memref<125xi32, #tpu.memory_space<vmem>>
          %dma_start3A_75 = arith.constant 0 : i32
          %dma_start3A_76 = arith.constant 0 : i32
          %dma_start3A_77 = tpu.memref_slice %arg11[%dma_start3A_75, %dma_start3A_76] : memref<10000x128xf32, #tpu.memory_space<vmem_shared>> -> memref<10000x128xf32, #tpu.memory_space<vmem_shared>>
          tpu.enqueue_indirect_dma source(%arg9 : memref<125x128xf32, #tpu.memory_space<vmem>>) target(%dma_start3A_77 : memref<10000x128xf32, #tpu.memory_space<vmem_shared>>) offsets(%dma_start3A_74 : memref<125xi32, #tpu.memory_space<vmem>>) semaphore(%run_scoped3A : memref<!tpu.dma_semaphore, #tpu.memory_space<semaphore_mem>>) {add = true}
          %dma_wait3A_78 = arith.constant 0 : i32
          %dma_wait3A_79 = tpu.memref_slice %arg8[%mul3A_43, %dma_wait3A_78] : memref<40x125xi32, #tpu.memory_space<vmem>> -> memref<1x125xi32, #tpu.memory_space<vmem>>
          %dma_wait3A_80 = tpu.memref_squeeze %dma_wait3A_79 : memref<1x125xi32, #tpu.memory_space<vmem>> -> memref<125xi32, #tpu.memory_space<vmem>>
          %dma_wait3A_81 = arith.constant 0 : i32
          %dma_wait3A_82 = arith.constant 0 : i32
          %dma_wait3A_83 = tpu.memref_slice %arg11[%dma_wait3A_81, %dma_wait3A_82] : memref<10000x128xf32, #tpu.memory_space<vmem_shared>> -> memref<10000x128xf32, #tpu.memory_space<vmem_shared>>
          tpu.wait_indirect_dma semaphore(%run_scoped3A : memref<!tpu.dma_semaphore, #tpu.memory_space<semaphore_mem>>) src(%arg9 : memref<125x128xf32, #tpu.memory_space<vmem>>) dst(%dma_wait3A_83 : memref<10000x128xf32, #tpu.memory_space<vmem_shared>>)
          tpu.yield
        }) : () -> ()
        %add3A_59 = arith.constant 2 : i32
        %add3A_60 = arith.addi %mul3A_43, %add3A_59 : i32
        %lt3A_61 = arith.constant 40 : i32
        %lt3A_62 = arith.cmpi slt, %add3A_60, %lt3A_61 : i32
        %convert_element_type3A_63 = arith.extui %lt3A_62 : i1 to i32
        %cond3A_64 = arith.constant 0 : i32
        %cond3A_65 = arith.cmpi ne, %convert_element_type3A_63, %cond3A_64 : i32
        scf.if %cond3A_65 {
          %add3A_72 = arith.constant 2 : i32
          %add3A_73 = arith.addi %mul3A_43, %add3A_72 : i32
          %dma_start3A_74 = arith.constant 0 : i32
          %dma_start3A_75 = tpu.memref_slice %arg7[%add3A_73, %dma_start3A_74] : memref<40x125xi32, #tpu.memory_space<vmem>> -> memref<1x125xi32, #tpu.memory_space<vmem>>
          %dma_start3A_76 = tpu.memref_squeeze %dma_start3A_75 : memref<1x125xi32, #tpu.memory_space<vmem>> -> memref<125xi32, #tpu.memory_space<vmem>>
          %dma_start3A_77 = arith.constant 0 : i32
          %dma_start3A_78 = arith.constant 0 : i32
          %dma_start3A_79 = tpu.memref_slice %arg4[%dma_start3A_77, %dma_start3A_78] : memref<10000x128xf32, #tpu.memory_space<hbm>> -> memref<10000x128xf32, #tpu.memory_space<hbm>>
          tpu.enqueue_indirect_dma source(%dma_start3A_79 : memref<10000x128xf32, #tpu.memory_space<hbm>>) target(%arg9 : memref<125x128xf32, #tpu.memory_space<vmem>>) offsets(%dma_start3A_76 : memref<125xi32, #tpu.memory_space<vmem>>) semaphore(%arg12 : memref<!tpu.dma_semaphore, #tpu.memory_space<semaphore_mem>>)
        } else {
        }
        %dma_wait3A_66 = arith.constant 0 : i32
        %dma_wait3A_67 = tpu.memref_slice %arg7[%add3A_47, %dma_wait3A_66] : memref<40x125xi32, #tpu.memory_space<vmem>> -> memref<1x125xi32, #tpu.memory_space<vmem>>
        %dma_wait3A_68 = tpu.memref_squeeze %dma_wait3A_67 : memref<1x125xi32, #tpu.memory_space<vmem>> -> memref<125xi32, #tpu.memory_space<vmem>>
        %dma_wait3A_69 = arith.constant 0 : i32
        %dma_wait3A_70 = arith.constant 0 : i32
        %dma_wait3A_71 = tpu.memref_slice %arg4[%dma_wait3A_69, %dma_wait3A_70] : memref<10000x128xf32, #tpu.memory_space<hbm>> -> memref<10000x128xf32, #tpu.memory_space<hbm>>
        tpu.wait_indirect_dma semaphore(%arg13 : memref<!tpu.dma_semaphore, #tpu.memory_space<semaphore_mem>>) src(%dma_wait3A_71 : memref<10000x128xf32, #tpu.memory_space<hbm>>) dst(%arg10 : memref<125x128xf32, #tpu.memory_space<vmem>>)
        "tpu.region"() ({
          %run_scoped3A = tpu.sem_alloc : memref<!tpu.dma_semaphore, #tpu.memory_space<semaphore_mem>>
          %dma_start3A_72 = arith.constant 0 : i32
          %dma_start3A_73 = tpu.memref_slice %arg8[%add3A_47, %dma_start3A_72] : memref<40x125xi32, #tpu.memory_space<vmem>> -> memref<1x125xi32, #tpu.memory_space<vmem>>
          %dma_start3A_74 = tpu.memref_squeeze %dma_start3A_73 : memref<1x125xi32, #tpu.memory_space<vmem>> -> memref<125xi32, #tpu.memory_space<vmem>>
          %dma_start3A_75 = arith.constant 0 : i32
          %dma_start3A_76 = arith.constant 0 : i32
          %dma_start3A_77 = tpu.memref_slice %arg11[%dma_start3A_75, %dma_start3A_76] : memref<10000x128xf32, #tpu.memory_space<vmem_shared>> -> memref<10000x128xf32, #tpu.memory_space<vmem_shared>>
          tpu.enqueue_indirect_dma source(%arg10 : memref<125x128xf32, #tpu.memory_space<vmem>>) target(%dma_start3A_77 : memref<10000x128xf32, #tpu.memory_space<vmem_shared>>) offsets(%dma_start3A_74 : memref<125xi32, #tpu.memory_space<vmem>>) semaphore(%run_scoped3A : memref<!tpu.dma_semaphore, #tpu.memory_space<semaphore_mem>>) {add = true}
          %dma_wait3A_78 = arith.constant 0 : i32
          %dma_wait3A_79 = tpu.memref_slice %arg8[%add3A_47, %dma_wait3A_78] : memref<40x125xi32, #tpu.memory_space<vmem>> -> memref<1x125xi32, #tpu.memory_space<vmem>>
          %dma_wait3A_80 = tpu.memref_squeeze %dma_wait3A_79 : memref<1x125xi32, #tpu.memory_space<vmem>> -> memref<125xi32, #tpu.memory_space<vmem>>
          %dma_wait3A_81 = arith.constant 0 : i32
          %dma_wait3A_82 = arith.constant 0 : i32
          %dma_wait3A_83 = tpu.memref_slice %arg11[%dma_wait3A_81, %dma_wait3A_82] : memref<10000x128xf32, #tpu.memory_space<vmem_shared>> -> memref<10000x128xf32, #tpu.memory_space<vmem_shared>>
          tpu.wait_indirect_dma semaphore(%run_scoped3A : memref<!tpu.dma_semaphore, #tpu.memory_space<semaphore_mem>>) src(%arg10 : memref<125x128xf32, #tpu.memory_space<vmem>>) dst(%dma_wait3A_83 : memref<10000x128xf32, #tpu.memory_space<vmem_shared>>)
          tpu.yield
        }) : () -> ()
      }
      %scan3A_40 = arith.constant 20 : i32
    }
    %scan3A_13 = arith.constant 2 : i32
    %barrier3A_14 = arith.constant 0 : index
    tpu.barrier barrier_id(%barrier3A_14)
    %lt3A_15 = arith.constant 15 : i32
    %lt3A_16 = arith.cmpi slt, %arg1, %lt3A_15 : i32
    %convert_element_type3A_17 = arith.extui %lt3A_16 : i1 to i32
    %cond3A_18 = arith.constant 0 : i32
    %cond3A_19 = arith.cmpi ne, %convert_element_type3A_17, %cond3A_18 : i32
    scf.if %cond3A_19 {
      %mul3A_25 = arith.constant 632 : i32
      %mul3A_26 = arith.muli %arg1, %mul3A_25 : i32
      %mul3A_27 = arith.constant 632 : i32
      %mul3A_28 = arith.muli %arg1, %mul3A_27 : i32
      "tpu.region"() ({
        %run_scoped3A = tpu.sem_alloc : memref<!tpu.dma_semaphore, #tpu.memory_space<semaphore_mem>>
        %dma_start3A = arith.constant 0 : i32
        %dma_start3A_29 = tpu.memref_slice %arg6[%arg0, %mul3A_28, %dma_start3A] : memref<2x10000x128xf32, #tpu.memory_space<hbm>> -> memref<1x632x128xf32, #tpu.memory_space<hbm>>
        %dma_start3A_30 = tpu.memref_squeeze %dma_start3A_29 : memref<1x632x128xf32, #tpu.memory_space<hbm>> -> memref<632x128xf32, #tpu.memory_space<hbm>>
        %dma_start3A_31 = arith.constant 0 : i32
        %dma_start3A_32 = tpu.memref_slice %arg11[%mul3A_26, %dma_start3A_31] : memref<10000x128xf32, #tpu.memory_space<vmem_shared>> -> memref<632x128xf32, #tpu.memory_space<vmem_shared>>
        tpu.enqueue_dma source(%dma_start3A_32 : memref<632x128xf32, #tpu.memory_space<vmem_shared>>) target(%dma_start3A_30 : memref<632x128xf32, #tpu.memory_space<hbm>>) target_semaphore(%run_scoped3A : memref<!tpu.dma_semaphore, #tpu.memory_space<semaphore_mem>>)
        %dma_wait3A = arith.constant 0 : i32
        %dma_wait3A_33 = tpu.memref_slice %arg6[%arg0, %mul3A_28, %dma_wait3A] : memref<2x10000x128xf32, #tpu.memory_space<hbm>> -> memref<1x632x128xf32, #tpu.memory_space<hbm>>
        %dma_wait3A_34 = tpu.memref_squeeze %dma_wait3A_33 : memref<1x632x128xf32, #tpu.memory_space<hbm>> -> memref<632x128xf32, #tpu.memory_space<hbm>>
        %dma_wait3A_35 = arith.constant 0 : i32
        %dma_wait3A_36 = tpu.memref_slice %arg11[%mul3A_26, %dma_wait3A_35] : memref<10000x128xf32, #tpu.memory_space<vmem_shared>> -> memref<632x128xf32, #tpu.memory_space<vmem_shared>>
        tpu.wait_dma2 semaphore(%run_scoped3A : memref<!tpu.dma_semaphore, #tpu.memory_space<semaphore_mem>>) src(%dma_wait3A_36 : memref<632x128xf32, #tpu.memory_space<vmem_shared>>) dst(%dma_wait3A_34 : memref<632x128xf32, #tpu.memory_space<hbm>>)
        tpu.yield
      }) : () -> ()
    } else {
    }
    %eq3A_20 = arith.constant 15 : i32
    %eq3A_21 = arith.cmpi eq, %arg1, %eq3A_20 : i32
    %convert_element_type3A_22 = arith.extui %eq3A_21 : i1 to i32
    %cond3A_23 = arith.constant 0 : i32
    %cond3A_24 = arith.cmpi ne, %convert_element_type3A_22, %cond3A_23 : i32
    scf.if %cond3A_24 {
      "tpu.region"() ({
        %run_scoped3A = tpu.sem_alloc : memref<!tpu.dma_semaphore, #tpu.memory_space<semaphore_mem>>
        %dma_start3A = arith.constant 9480 : i32
        %dma_start3A_25 = arith.constant 0 : i32
        %dma_start3A_26 = tpu.memref_slice %arg6[%arg0, %dma_start3A, %dma_start3A_25] : memref<2x10000x128xf32, #tpu.memory_space<hbm>> -> memref<1x520x128xf32, #tpu.memory_space<hbm>>
        %dma_start3A_27 = tpu.memref_squeeze %dma_start3A_26 : memref<1x520x128xf32, #tpu.memory_space<hbm>> -> memref<520x128xf32, #tpu.memory_space<hbm>>
        %dma_start3A_28 = arith.constant 9480 : i32
        %dma_start3A_29 = arith.constant 0 : i32
        %dma_start3A_30 = tpu.memref_slice %arg11[%dma_start3A_28, %dma_start3A_29] : memref<10000x128xf32, #tpu.memory_space<vmem_shared>> -> memref<520x128xf32, #tpu.memory_space<vmem_shared>>
        tpu.enqueue_dma source(%dma_start3A_30 : memref<520x128xf32, #tpu.memory_space<vmem_shared>>) target(%dma_start3A_27 : memref<520x128xf32, #tpu.memory_space<hbm>>) target_semaphore(%run_scoped3A : memref<!tpu.dma_semaphore, #tpu.memory_space<semaphore_mem>>)
        %dma_wait3A = arith.constant 9480 : i32
        %dma_wait3A_31 = arith.constant 0 : i32
        %dma_wait3A_32 = tpu.memref_slice %arg6[%arg0, %dma_wait3A, %dma_wait3A_31] : memref<2x10000x128xf32, #tpu.memory_space<hbm>> -> memref<1x520x128xf32, #tpu.memory_space<hbm>>
        %dma_wait3A_33 = tpu.memref_squeeze %dma_wait3A_32 : memref<1x520x128xf32, #tpu.memory_space<hbm>> -> memref<520x128xf32, #tpu.memory_space<hbm>>
        %dma_wait3A_34 = arith.constant 9480 : i32
        %dma_wait3A_35 = arith.constant 0 : i32
        %dma_wait3A_36 = tpu.memref_slice %arg11[%dma_wait3A_34, %dma_wait3A_35] : memref<10000x128xf32, #tpu.memory_space<vmem_shared>> -> memref<520x128xf32, #tpu.memory_space<vmem_shared>>
        tpu.wait_dma2 semaphore(%run_scoped3A : memref<!tpu.dma_semaphore, #tpu.memory_space<semaphore_mem>>) src(%dma_wait3A_36 : memref<520x128xf32, #tpu.memory_space<vmem_shared>>) dst(%dma_wait3A_33 : memref<520x128xf32, #tpu.memory_space<hbm>>)
        tpu.yield
      }) : () -> ()
    } else {
    }
    return
  }
}

#map = affine_map<(d0, d1) -> (0, 0)>
#map1 = affine_map<(d0, d1) -> (0)>
module attributes {stable_mosaic.version = 14 : i64} {
  func.func @_deg_kernel(%arg0: i32, %arg1: i32, %arg2: memref<2560x125xi32, #tpu.memory_space<hbm>>, %arg3: memref<10240xf32, #tpu.memory_space<hbm>>, %arg4: memref<2x10240xf32, #tpu.memory_space<hbm>>, %arg5: memref<80x125xi32, #tpu.memory_space<vmem>>, %arg6: memref<128xf32, #tpu.memory_space<vmem>>, %arg7: memref<10240xf32, #tpu.memory_space<vmem_shared>>, %arg8: memref<!tpu.dma_semaphore, #tpu.memory_space<semaphore_mem>>) attributes {dimension_semantics = [#tpu.dimension_semantics<core_parallel>, #tpu.dimension_semantics<subcore_parallel>], iteration_bounds = array<i64: 2, 16>, scalar_prefetch = 0 : i64, scratch_operands = 4 : i64, tpu.core_type = #tpu.core_type<sc_vector_subcore>, window_params = [{transform_indices = #map}, {transform_indices = #map1}, {transform_indices = #map}]} {
    %mul3A = arith.constant 16 : i32
    %mul3A_0 = arith.muli %arg0, %mul3A : i32
    %add3A = arith.addi %mul3A_0, %arg1 : i32
    %mul3A_1 = arith.constant 80 : i32
    %mul3A_2 = arith.muli %add3A, %mul3A_1 : i32
    "tpu.region"() ({
      %run_scoped3A = tpu.sem_alloc : memref<!tpu.dma_semaphore, #tpu.memory_space<semaphore_mem>>
      %dma_start3A = arith.constant 0 : i32
      %dma_start3A_69 = tpu.memref_slice %arg2[%mul3A_2, %dma_start3A] : memref<2560x125xi32, #tpu.memory_space<hbm>> -> memref<80x125xi32, #tpu.memory_space<hbm>>
      %dma_start3A_70 = arith.constant 0 : i32
      %dma_start3A_71 = tpu.memref_slice %arg2[%mul3A_2, %dma_start3A_70] : memref<2560x125xi32, #tpu.memory_space<hbm>> -> memref<80x125xi32, #tpu.memory_space<hbm>>
      tpu.enqueue_dma source(%dma_start3A_71 : memref<80x125xi32, #tpu.memory_space<hbm>>) target(%arg5 : memref<80x125xi32, #tpu.memory_space<vmem>>) target_semaphore(%run_scoped3A : memref<!tpu.dma_semaphore, #tpu.memory_space<semaphore_mem>>)
      %dma_wait3A = arith.constant 0 : i32
      %dma_wait3A_72 = tpu.memref_slice %arg2[%mul3A_2, %dma_wait3A] : memref<2560x125xi32, #tpu.memory_space<hbm>> -> memref<80x125xi32, #tpu.memory_space<hbm>>
      %dma_wait3A_73 = arith.constant 0 : i32
      %dma_wait3A_74 = tpu.memref_slice %arg2[%mul3A_2, %dma_wait3A_73] : memref<2560x125xi32, #tpu.memory_space<hbm>> -> memref<80x125xi32, #tpu.memory_space<hbm>>
      tpu.wait_dma2 semaphore(%run_scoped3A : memref<!tpu.dma_semaphore, #tpu.memory_space<semaphore_mem>>) src(%dma_wait3A_74 : memref<80x125xi32, #tpu.memory_space<hbm>>) dst(%arg5 : memref<80x125xi32, #tpu.memory_space<vmem>>)
      tpu.yield
    }) : () -> ()
    %mul3A_3 = arith.constant 640 : i32
    %mul3A_4 = arith.muli %arg1, %mul3A_3 : i32
    %mul3A_5 = arith.constant 640 : i32
    %mul3A_6 = arith.muli %arg1, %mul3A_5 : i32
    "tpu.region"() ({
      %run_scoped3A = tpu.sem_alloc : memref<!tpu.dma_semaphore, #tpu.memory_space<semaphore_mem>>
      %dma_start3A = tpu.memref_slice %arg7[%mul3A_6] : memref<10240xf32, #tpu.memory_space<vmem_shared>> -> memref<640xf32, #tpu.memory_space<vmem_shared>>
      %dma_start3A_69 = tpu.memref_slice %arg3[%mul3A_4] : memref<10240xf32, #tpu.memory_space<hbm>> -> memref<640xf32, #tpu.memory_space<hbm>>
      tpu.enqueue_dma source(%dma_start3A_69 : memref<640xf32, #tpu.memory_space<hbm>>) target(%dma_start3A : memref<640xf32, #tpu.memory_space<vmem_shared>>) target_semaphore(%run_scoped3A : memref<!tpu.dma_semaphore, #tpu.memory_space<semaphore_mem>>)
      %dma_wait3A = tpu.memref_slice %arg7[%mul3A_6] : memref<10240xf32, #tpu.memory_space<vmem_shared>> -> memref<640xf32, #tpu.memory_space<vmem_shared>>
      %dma_wait3A_70 = tpu.memref_slice %arg3[%mul3A_4] : memref<10240xf32, #tpu.memory_space<hbm>> -> memref<640xf32, #tpu.memory_space<hbm>>
      tpu.wait_dma2 semaphore(%run_scoped3A : memref<!tpu.dma_semaphore, #tpu.memory_space<semaphore_mem>>) src(%dma_wait3A_70 : memref<640xf32, #tpu.memory_space<hbm>>) dst(%dma_wait3A : memref<640xf32, #tpu.memory_space<vmem_shared>>)
      tpu.yield
    }) : () -> ()
    %broadcast_in_dim3A = arith.constant 1.000000e+00 : f32
    %broadcast_in_dim3A_7 = vector.broadcast %broadcast_in_dim3A : f32 to vector<16xf32>
    %swap3A = arith.constant 0 : index
    %swap3A_8 = tpu.vector_load %arg6[%swap3A] {strides = array<i32>} : memref<128xf32, #tpu.memory_space<vmem>>, vector<16xf32>,
    %swap3A_9 = vector.shape_cast %swap3A_8 : vector<16xf32> to vector<16xf32>
    %swap3A_10 = vector.shape_cast %broadcast_in_dim3A_7 : vector<16xf32> to vector<16xf32>
    tpu.vector_store %arg6[%swap3A], %swap3A_10 {strides = array<i32>} : memref<128xf32, #tpu.memory_space<vmem>>, vector<16xf32>,
    %broadcast_in_dim3A_11 = arith.constant 1.000000e+00 : f32
    %broadcast_in_dim3A_12 = vector.broadcast %broadcast_in_dim3A_11 : f32 to vector<16xf32>
    %swap3A_13 = arith.constant 16 : index
    %swap3A_14 = tpu.vector_load %arg6[%swap3A_13] {strides = array<i32>} : memref<128xf32, #tpu.memory_space<vmem>>, vector<16xf32>,
    %swap3A_15 = vector.shape_cast %swap3A_14 : vector<16xf32> to vector<16xf32>
    %swap3A_16 = vector.shape_cast %broadcast_in_dim3A_12 : vector<16xf32> to vector<16xf32>
    tpu.vector_store %arg6[%swap3A_13], %swap3A_16 {strides = array<i32>} : memref<128xf32, #tpu.memory_space<vmem>>, vector<16xf32>,
    %broadcast_in_dim3A_17 = arith.constant 1.000000e+00 : f32
    %broadcast_in_dim3A_18 = vector.broadcast %broadcast_in_dim3A_17 : f32 to vector<16xf32>
    %swap3A_19 = arith.constant 32 : index
    %swap3A_20 = tpu.vector_load %arg6[%swap3A_19] {strides = array<i32>} : memref<128xf32, #tpu.memory_space<vmem>>, vector<16xf32>,
    %swap3A_21 = vector.shape_cast %swap3A_20 : vector<16xf32> to vector<16xf32>
    %swap3A_22 = vector.shape_cast %broadcast_in_dim3A_18 : vector<16xf32> to vector<16xf32>
    tpu.vector_store %arg6[%swap3A_19], %swap3A_22 {strides = array<i32>} : memref<128xf32, #tpu.memory_space<vmem>>, vector<16xf32>,
    %broadcast_in_dim3A_23 = arith.constant 1.000000e+00 : f32
    %broadcast_in_dim3A_24 = vector.broadcast %broadcast_in_dim3A_23 : f32 to vector<16xf32>
    %swap3A_25 = arith.constant 48 : index
    %swap3A_26 = tpu.vector_load %arg6[%swap3A_25] {strides = array<i32>} : memref<128xf32, #tpu.memory_space<vmem>>, vector<16xf32>,
    %swap3A_27 = vector.shape_cast %swap3A_26 : vector<16xf32> to vector<16xf32>
    %swap3A_28 = vector.shape_cast %broadcast_in_dim3A_24 : vector<16xf32> to vector<16xf32>
    tpu.vector_store %arg6[%swap3A_25], %swap3A_28 {strides = array<i32>} : memref<128xf32, #tpu.memory_space<vmem>>, vector<16xf32>,
    %broadcast_in_dim3A_29 = arith.constant 1.000000e+00 : f32
    %broadcast_in_dim3A_30 = vector.broadcast %broadcast_in_dim3A_29 : f32 to vector<16xf32>
    %swap3A_31 = arith.constant 64 : index
    %swap3A_32 = tpu.vector_load %arg6[%swap3A_31] {strides = array<i32>} : memref<128xf32, #tpu.memory_space<vmem>>, vector<16xf32>,
    %swap3A_33 = vector.shape_cast %swap3A_32 : vector<16xf32> to vector<16xf32>
    %swap3A_34 = vector.shape_cast %broadcast_in_dim3A_30 : vector<16xf32> to vector<16xf32>
    tpu.vector_store %arg6[%swap3A_31], %swap3A_34 {strides = array<i32>} : memref<128xf32, #tpu.memory_space<vmem>>, vector<16xf32>,
    %broadcast_in_dim3A_35 = arith.constant 1.000000e+00 : f32
    %broadcast_in_dim3A_36 = vector.broadcast %broadcast_in_dim3A_35 : f32 to vector<16xf32>
    %swap3A_37 = arith.constant 80 : index
    %swap3A_38 = tpu.vector_load %arg6[%swap3A_37] {strides = array<i32>} : memref<128xf32, #tpu.memory_space<vmem>>, vector<16xf32>,
    %swap3A_39 = vector.shape_cast %swap3A_38 : vector<16xf32> to vector<16xf32>
    %swap3A_40 = vector.shape_cast %broadcast_in_dim3A_36 : vector<16xf32> to vector<16xf32>
    tpu.vector_store %arg6[%swap3A_37], %swap3A_40 {strides = array<i32>} : memref<128xf32, #tpu.memory_space<vmem>>, vector<16xf32>,
    %broadcast_in_dim3A_41 = arith.constant 1.000000e+00 : f32
    %broadcast_in_dim3A_42 = vector.broadcast %broadcast_in_dim3A_41 : f32 to vector<16xf32>
    %swap3A_43 = arith.constant 96 : index
    %swap3A_44 = tpu.vector_load %arg6[%swap3A_43] {strides = array<i32>} : memref<128xf32, #tpu.memory_space<vmem>>, vector<16xf32>,
    %swap3A_45 = vector.shape_cast %swap3A_44 : vector<16xf32> to vector<16xf32>
    %swap3A_46 = vector.shape_cast %broadcast_in_dim3A_42 : vector<16xf32> to vector<16xf32>
    tpu.vector_store %arg6[%swap3A_43], %swap3A_46 {strides = array<i32>} : memref<128xf32, #tpu.memory_space<vmem>>, vector<16xf32>,
    %broadcast_in_dim3A_47 = arith.constant 1.000000e+00 : f32
    %broadcast_in_dim3A_48 = vector.broadcast %broadcast_in_dim3A_47 : f32 to vector<16xf32>
    %swap3A_49 = arith.constant 112 : index
    %swap3A_50 = tpu.vector_load %arg6[%swap3A_49] {strides = array<i32>} : memref<128xf32, #tpu.memory_space<vmem>>, vector<16xf32>,
    %swap3A_51 = vector.shape_cast %swap3A_50 : vector<16xf32> to vector<16xf32>
    %swap3A_52 = vector.shape_cast %broadcast_in_dim3A_48 : vector<16xf32> to vector<16xf32>
    tpu.vector_store %arg6[%swap3A_49], %swap3A_52 {strides = array<i32>} : memref<128xf32, #tpu.memory_space<vmem>>, vector<16xf32>,
    %barrier3A = arith.constant 0 : index
    tpu.barrier barrier_id(%barrier3A)
    %scan3A = arith.constant 0 : i32
    %scan3A_53 = arith.constant 0 : i32
    %scan3A_54 = arith.constant 80 : i32
    %scan3A_55 = arith.addi %scan3A_53, %scan3A_54 : i32
    %scan3A_56 = arith.constant 1 : i32
    scf.for %scan3A_69 = %scan3A_53 to %scan3A_55 step %scan3A_56  : i32 {
      %dma_start3A = arith.constant 0 : i32
      %dma_start3A_70 = tpu.memref_slice %arg6[%dma_start3A] : memref<128xf32, #tpu.memory_space<vmem>> -> memref<125xf32, #tpu.memory_space<vmem>>
      %dma_start3A_71 = arith.constant 0 : i32
      %dma_start3A_72 = tpu.memref_slice %arg5[%scan3A_69, %dma_start3A_71] : memref<80x125xi32, #tpu.memory_space<vmem>> -> memref<1x125xi32, #tpu.memory_space<vmem>>
      %dma_start3A_73 = tpu.memref_squeeze %dma_start3A_72 : memref<1x125xi32, #tpu.memory_space<vmem>> -> memref<125xi32, #tpu.memory_space<vmem>>
      %dma_start3A_74 = arith.constant 0 : i32
      %dma_start3A_75 = tpu.memref_slice %arg7[%dma_start3A_74] : memref<10240xf32, #tpu.memory_space<vmem_shared>> -> memref<10240xf32, #tpu.memory_space<vmem_shared>>
      tpu.enqueue_indirect_dma source(%dma_start3A_70 : memref<125xf32, #tpu.memory_space<vmem>>) target(%dma_start3A_75 : memref<10240xf32, #tpu.memory_space<vmem_shared>>) offsets(%dma_start3A_73 : memref<125xi32, #tpu.memory_space<vmem>>) semaphore(%arg8 : memref<!tpu.dma_semaphore, #tpu.memory_space<semaphore_mem>>) {add = true}
    }
    %scan3A_57 = arith.constant 80 : i32
    %scan3A_58 = arith.constant 0 : i32
    %scan3A_59 = arith.constant 0 : i32
    %scan3A_60 = arith.constant 80 : i32
    %scan3A_61 = arith.addi %scan3A_59, %scan3A_60 : i32
    %scan3A_62 = arith.constant 1 : i32
    scf.for %scan3A_69 = %scan3A_59 to %scan3A_61 step %scan3A_62  : i32 {
      %dma_wait3A = arith.constant 0 : i32
      %dma_wait3A_70 = tpu.memref_slice %arg6[%dma_wait3A] : memref<128xf32, #tpu.memory_space<vmem>> -> memref<125xf32, #tpu.memory_space<vmem>>
      %dma_wait3A_71 = arith.constant 0 : i32
      %dma_wait3A_72 = tpu.memref_slice %arg5[%scan3A_69, %dma_wait3A_71] : memref<80x125xi32, #tpu.memory_space<vmem>> -> memref<1x125xi32, #tpu.memory_space<vmem>>
      %dma_wait3A_73 = tpu.memref_squeeze %dma_wait3A_72 : memref<1x125xi32, #tpu.memory_space<vmem>> -> memref<125xi32, #tpu.memory_space<vmem>>
      %dma_wait3A_74 = arith.constant 0 : i32
      %dma_wait3A_75 = tpu.memref_slice %arg7[%dma_wait3A_74] : memref<10240xf32, #tpu.memory_space<vmem_shared>> -> memref<10240xf32, #tpu.memory_space<vmem_shared>>
      tpu.wait_indirect_dma semaphore(%arg8 : memref<!tpu.dma_semaphore, #tpu.memory_space<semaphore_mem>>) src(%dma_wait3A_70 : memref<125xf32, #tpu.memory_space<vmem>>) dst(%dma_wait3A_75 : memref<10240xf32, #tpu.memory_space<vmem_shared>>)
    }
    %scan3A_63 = arith.constant 80 : i32
    %barrier3A_64 = arith.constant 0 : index
    tpu.barrier barrier_id(%barrier3A_64)
    %mul3A_65 = arith.constant 640 : i32
    %mul3A_66 = arith.muli %arg1, %mul3A_65 : i32
    %mul3A_67 = arith.constant 640 : i32
    %mul3A_68 = arith.muli %arg1, %mul3A_67 : i32
    "tpu.region"() ({
      %run_scoped3A = tpu.sem_alloc : memref<!tpu.dma_semaphore, #tpu.memory_space<semaphore_mem>>
      %dma_start3A = tpu.memref_slice %arg4[%arg0, %mul3A_68] : memref<2x10240xf32, #tpu.memory_space<hbm>> -> memref<1x640xf32, #tpu.memory_space<hbm>>
      %dma_start3A_69 = tpu.memref_squeeze %dma_start3A : memref<1x640xf32, #tpu.memory_space<hbm>> -> memref<640xf32, #tpu.memory_space<hbm>>
      %dma_start3A_70 = tpu.memref_slice %arg7[%mul3A_66] : memref<10240xf32, #tpu.memory_space<vmem_shared>> -> memref<640xf32, #tpu.memory_space<vmem_shared>>
      tpu.enqueue_dma source(%dma_start3A_70 : memref<640xf32, #tpu.memory_space<vmem_shared>>) target(%dma_start3A_69 : memref<640xf32, #tpu.memory_space<hbm>>) target_semaphore(%run_scoped3A : memref<!tpu.dma_semaphore, #tpu.memory_space<semaphore_mem>>)
      %dma_wait3A = tpu.memref_slice %arg4[%arg0, %mul3A_68] : memref<2x10240xf32, #tpu.memory_space<hbm>> -> memref<1x640xf32, #tpu.memory_space<hbm>>
      %dma_wait3A_71 = tpu.memref_squeeze %dma_wait3A : memref<1x640xf32, #tpu.memory_space<hbm>> -> memref<640xf32, #tpu.memory_space<hbm>>
      %dma_wait3A_72 = tpu.memref_slice %arg7[%mul3A_66] : memref<10240xf32, #tpu.memory_space<vmem_shared>> -> memref<640xf32, #tpu.memory_space<vmem_shared>>
      tpu.wait_dma2 semaphore(%run_scoped3A : memref<!tpu.dma_semaphore, #tpu.memory_space<semaphore_mem>>) src(%dma_wait3A_72 : memref<640xf32, #tpu.memory_space<vmem_shared>>) dst(%dma_wait3A_71 : memref<640xf32, #tpu.memory_space<hbm>>)
      tpu.yield
    }) : () -> ()
    return
  }
}

module attributes {stable_mosaic.version = 14 : i64} {
  func.func @_scale_body(%arg0: i32, %arg1: memref<2000x128xf32, #tpu.memory_space<vmem>>, %arg2: memref<128x128xf32, #tpu.memory_space<vmem>>, %arg3: memref<2000x1xf32, #tpu.memory_space<vmem>>, %arg4: memref<2000x1xf32, #tpu.memory_space<vmem>>, %arg5: memref<2000x128xf32, #tpu.memory_space<vmem>>, %arg6: memref<2000x1xf32, #tpu.memory_space<vmem>>) attributes {dimension_semantics = [#tpu.dimension_semantics<arbitrary>], iteration_bounds = array<i64: 5>, scalar_prefetch = 0 : i64, scratch_operands = 0 : i64, tpu.core_type = #tpu.core_type<tc>, window_params = [{transform_indices = @transform_0, window_bounds = array<i64: 2000, 128>}, {pipeline_mode = #tpu.pipeline_mode<synchronous>, transform_indices = @transform_1, window_bounds = array<i64: 128, 128>}, {transform_indices = @transform_2, window_bounds = array<i64: 2000, 1>}, {transform_indices = @transform_3, window_bounds = array<i64: 2000, 1>}, {transform_indices = @transform_4, window_bounds = array<i64: 2000, 128>}, {transform_indices = @transform_5, window_bounds = array<i64: 2000, 1>}]} {
    %get3A = arith.constant 0 : index
    %get3A_0 = arith.constant 0 : index
    %get3A_1 = vector.load %arg3[%get3A, %get3A_0] : memref<2000x1xf32, #tpu.memory_space<vmem>>, vector<2000x1xf32>
    %get3A_2 = arith.constant 0 : index
    %get3A_3 = arith.constant 0 : index
    %get3A_4 = vector.load %arg4[%get3A_2, %get3A_3] : memref<2000x1xf32, #tpu.memory_space<vmem>>, vector<2000x1xf32>
    %add3A = arith.addf %get3A_1, %get3A_4 : vector<2000x1xf32>
    %add3A_5 = arith.constant 1.000000e+00 : f32
    %add3A_6 = vector.broadcast %add3A_5 : f32 to vector<2000x1xf32>
    %add3A_7 = arith.addf %add3A, %add3A_6 : vector<2000x1xf32>
    %rsqrt3A = math.rsqrt %add3A_7 : vector<2000x1xf32>
    %get3A_8 = arith.constant 0 : index
    %get3A_9 = arith.constant 0 : index
    %get3A_10 = vector.load %arg1[%get3A_8, %get3A_9] : memref<2000x128xf32, #tpu.memory_space<vmem>>, vector<2000x128xf32>
    %get3A_11 = arith.constant 0 : index
    %get3A_12 = arith.constant 0 : index
    %get3A_13 = vector.load %arg2[%get3A_11, %get3A_12] : memref<128x128xf32, #tpu.memory_space<vmem>>, vector<128x128xf32>
    %dot_general3A = arith.constant dense<0.000000e+00> : vector<2000x128xf32>
    %dot_general3A_14 = tpu.matmul %get3A_10, %get3A_13, %dot_general3A {dimension_numbers = #tpu.dot_dimension_numbers<[1], [0], [0], [1], [0, 0, 1, 1], [], []>, transpose_lhs_hint = false} : vector<2000x128xf32>, vector<128x128xf32>, vector<2000x128xf32> -> vector<2000x128xf32>
    %mul3A = vector.broadcast %rsqrt3A : vector<2000x1xf32> to vector<2000x128xf32>
    %mul3A_15 = arith.mulf %dot_general3A_14, %mul3A : vector<2000x128xf32>
    %swap3A = arith.constant 0 : index
    %swap3A_16 = arith.constant 0 : index
    %swap3A_17 = vector.load %arg5[%swap3A, %swap3A_16] : memref<2000x128xf32, #tpu.memory_space<vmem>>, vector<2000x128xf32>
    tpu.vector_store %arg5[%swap3A, %swap3A_16], %mul3A_15 {strides = array<i32>} : memref<2000x128xf32, #tpu.memory_space<vmem>>, vector<2000x128xf32>,
    %swap3A_18 = arith.constant 0 : index
    %swap3A_19 = arith.constant 0 : index
    %swap3A_20 = vector.load %arg6[%swap3A_18, %swap3A_19] : memref<2000x1xf32, #tpu.memory_space<vmem>>, vector<2000x1xf32>
    tpu.vector_store %arg6[%swap3A_18, %swap3A_19], %rsqrt3A {strides = array<i32>} : memref<2000x1xf32, #tpu.memory_space<vmem>>, vector<2000x1xf32>,
    return
  }
  func.func @transform_0(%arg0: i32) -> (i32, i32) {
    %c0_i32 = arith.constant 0 : i32
    %c0_i32_0 = arith.constant 0 : i32
    return %arg0, %c0_i32 : i32, i32
  }
  func.func @transform_1(%arg0: i32) -> (i32, i32) {
    %c0_i32 = arith.constant 0 : i32
    %c0_i32_0 = arith.constant 0 : i32
    %c0_i32_1 = arith.constant 0 : i32
    return %c0_i32, %c0_i32_0 : i32, i32
  }
  func.func @transform_2(%arg0: i32) -> (i32, i32) {
    %c0_i32 = arith.constant 0 : i32
    %c0_i32_0 = arith.constant 0 : i32
    return %arg0, %c0_i32 : i32, i32
  }
  func.func @transform_3(%arg0: i32) -> (i32, i32) {
    %c0_i32 = arith.constant 0 : i32
    %c0_i32_0 = arith.constant 0 : i32
    return %arg0, %c0_i32 : i32, i32
  }
  func.func @transform_4(%arg0: i32) -> (i32, i32) {
    %c0_i32 = arith.constant 0 : i32
    %c0_i32_0 = arith.constant 0 : i32
    return %arg0, %c0_i32 : i32, i32
  }
  func.func @transform_5(%arg0: i32) -> (i32, i32) {
    %c0_i32 = arith.constant 0 : i32
    %c0_i32_0 = arith.constant 0 : i32
    return %arg0, %c0_i32 : i32, i32
  }
}

module attributes {stable_mosaic.version = 14 : i64} {
  func.func @_combine_body(%arg0: i32, %arg1: memref<2x2000x128xf32, #tpu.memory_space<vmem>>, %arg2: memref<2000x128xf32, #tpu.memory_space<vmem>>, %arg3: memref<2000x1xf32, #tpu.memory_space<vmem>>, %arg4: memref<1x128xf32, #tpu.memory_space<vmem>>, %arg5: memref<2000x128xf32, #tpu.memory_space<vmem>>) attributes {dimension_semantics = [#tpu.dimension_semantics<arbitrary>], iteration_bounds = array<i64: 5>, scalar_prefetch = 0 : i64, scratch_operands = 0 : i64, tpu.core_type = #tpu.core_type<tc>, window_params = [{transform_indices = @transform_0, window_bounds = array<i64: 2, 2000, 128>}, {transform_indices = @transform_1, window_bounds = array<i64: 2000, 128>}, {transform_indices = @transform_2, window_bounds = array<i64: 2000, 1>}, {pipeline_mode = #tpu.pipeline_mode<synchronous>, transform_indices = @transform_3, window_bounds = array<i64: 1, 128>}, {transform_indices = @transform_4, window_bounds = array<i64: 2000, 128>}]} {
    %get3A = arith.constant 0 : index
    %get3A_0 = arith.constant 0 : index
    %get3A_1 = arith.constant 0 : index
    %get3A_2 = vector.load %arg1[%get3A, %get3A_0, %get3A_1] : memref<2x2000x128xf32, #tpu.memory_space<vmem>>, vector<1x2000x128xf32>
    %get3A_3 = vector.shape_cast %get3A_2 : vector<1x2000x128xf32> to vector<2000x128xf32>
    %get3A_4 = arith.constant 1 : index
    %get3A_5 = arith.constant 0 : index
    %get3A_6 = arith.constant 0 : index
    %get3A_7 = vector.load %arg1[%get3A_4, %get3A_5, %get3A_6] : memref<2x2000x128xf32, #tpu.memory_space<vmem>>, vector<1x2000x128xf32>
    %get3A_8 = vector.shape_cast %get3A_7 : vector<1x2000x128xf32> to vector<2000x128xf32>
    %add3A = arith.addf %get3A_3, %get3A_8 : vector<2000x128xf32>
    %get3A_9 = arith.constant 0 : index
    %get3A_10 = arith.constant 0 : index
    %get3A_11 = vector.load %arg2[%get3A_9, %get3A_10] : memref<2000x128xf32, #tpu.memory_space<vmem>>, vector<2000x128xf32>
    %add3A_12 = arith.addf %add3A, %get3A_11 : vector<2000x128xf32>
    %get3A_13 = arith.constant 0 : index
    %get3A_14 = arith.constant 0 : index
    %get3A_15 = vector.load %arg3[%get3A_13, %get3A_14] : memref<2000x1xf32, #tpu.memory_space<vmem>>, vector<2000x1xf32>
    %mul3A = vector.broadcast %get3A_15 : vector<2000x1xf32> to vector<2000x128xf32>
    %mul3A_16 = arith.mulf %add3A_12, %mul3A : vector<2000x128xf32>
    %get3A_17 = arith.constant 0 : index
    %get3A_18 = arith.constant 0 : index
    %get3A_19 = vector.load %arg4[%get3A_17, %get3A_18] : memref<1x128xf32, #tpu.memory_space<vmem>>, vector<1x128xf32>
    %add3A_20 = vector.broadcast %get3A_19 : vector<1x128xf32> to vector<2000x128xf32>
    %add3A_21 = arith.addf %mul3A_16, %add3A_20 : vector<2000x128xf32>
    %max3A = arith.constant 0.000000e+00 : f32
    %max3A_22 = vector.broadcast %max3A : f32 to vector<2000x128xf32>
    %max3A_23 = arith.maximumf %add3A_21, %max3A_22 : vector<2000x128xf32>
    %swap3A = arith.constant 0 : index
    %swap3A_24 = arith.constant 0 : index
    %swap3A_25 = vector.load %arg5[%swap3A, %swap3A_24] : memref<2000x128xf32, #tpu.memory_space<vmem>>, vector<2000x128xf32>
    tpu.vector_store %arg5[%swap3A, %swap3A_24], %max3A_23 {strides = array<i32>} : memref<2000x128xf32, #tpu.memory_space<vmem>>, vector<2000x128xf32>,
    return
  }
  func.func @transform_0(%arg0: i32) -> (i32, i32, i32) {
    %c0_i32 = arith.constant 0 : i32
    %c0_i32_0 = arith.constant 0 : i32
    %c0_i32_1 = arith.constant 0 : i32
    return %c0_i32, %arg0, %c0_i32_0 : i32, i32, i32
  }
  func.func @transform_1(%arg0: i32) -> (i32, i32) {
    %c0_i32 = arith.constant 0 : i32
    %c0_i32_0 = arith.constant 0 : i32
    return %arg0, %c0_i32 : i32, i32
  }
  func.func @transform_2(%arg0: i32) -> (i32, i32) {
    %c0_i32 = arith.constant 0 : i32
    %c0_i32_0 = arith.constant 0 : i32
    return %arg0, %c0_i32 : i32, i32
  }
  func.func @transform_3(%arg0: i32) -> (i32, i32) {
    %c0_i32 = arith.constant 0 : i32
    %c0_i32_0 = arith.constant 0 : i32
    %c0_i32_1 = arith.constant 0 : i32
    return %c0_i32, %c0_i32_0 : i32, i32
  }
  func.func @transform_4(%arg0: i32) -> (i32, i32) {
    %c0_i32 = arith.constant 0 : i32
    %c0_i32_0 = arith.constant 0 : i32
    return %arg0, %c0_i32 : i32, i32
  }
}

</mosaic_0001>

<sc_bundles>
// kernel: kernel.6.cloned.1.call-start
scs
__scs_entry_jumppad:
0x0: {  	(pc) =	sbr.rel $0x88, $3  }
0x1: {  	(tag) =	ssettag $0x0;
	lr =	simm.s32 $0x1  }
0x2: {  	[smem:$0x3F9D] =	sst lr;
	_ =	strace $0xD0000000  }
0x3: {  	_ = 	snop  }
0x4: {  	_ = 	snop  }
0x5: {  	_ = 	snop  }
0x6: {  	_ = 	snop  }
0x7: {  	_ = 	snop  }
__scs_overlays_trampoline_lowered:
0x8: {  	[smem:$0x3FAC] =	sst s0  }
0x9: {  	[smem:$0x3FAD] =	sst s1  }
0xa: {  	[smem:$0x3FAE] =	sst s2  }
0xb: {  	[smem:$0x3FAF] =	sst s3  }
0xc: {  	[smem:$0x3FB0] =	sst s4  }
0xd: {  	[smem:$0x3FB1] =	sst s5  }
0xe: {  	[smem:$0x3FB2] =	sst s6  }
0xf: {  	[smem:$0x3FB3] =	sst s7  }
0x10: {  	[smem:$0x3FB4] =	sst s8  }
0x11: {  	[smem:$0x3FB5] =	sst s9;
	s0 =	simm.s32 @!p0 $0x0  }
0x12: {  	s1 =	sld [smem:$0x3F9B];
	s0 =	simm.s32 @p0 $0x1  }
0x13: {  	[smem:$0x3FB6] =	sst s0;
	s0 =	simm.s32 @!p1 $0x0  }
0x14: {  	s2 =	sld [smem:$0x3F9A];
	s0 =	simm.s32 @p1 $0x1  }
0x15: {  	[smem:$0x3FB7] =	sst s0;
	s0 =	simm.s32 @!p2 $0x0  }
0x16: {  	s3 =	sld [smem:$0x3FDB];
	s0 =	simm.s32 @p2 $0x1  }
0x17: {  	s4 =	simm.s32 $0x1BF5;
	[smem:$0x3FB9] =	sst s0  }
0x18: {  	s0 =	sld [smem:$0x3F9C];
	_ =	swait.ge [sflag:s4], $0x0  }
0x19: {  	s7 =	sld [smem:$0x3F9D]  }
0x1a: {  	s8 =	sadd.s32 $0xFFFFE003, lr  }
0x1b: {  	s9 =	sadd.s32 $0xFFFFFEF7, lr;
	s5 =	simm.s32 $0xFFFFFFFF;
	p2 =	slt.u32 s8, $0xFFFFF086  }
0x1c: {  	p1 =	slt.u32 s9, $0xF7A;
	s5 =	simm.s32 @!p2 $0x0  }
0x1d: {  	s5 =	simm.s32 @p1 $0x1;
	p0 =	seq.s32 s7, s2  }
0x1e: {  	s7 =	smul.u32 @!p0 $0xF7A, s2;
	p2 =	seq.s32 @!p0 s5, $0x0  }
0x1f: {  	s9 =	smul.u32 $0xF7A, s1;
	s8 =	simm.s32 @!p0 $0x1BF5;
	p2 =	por !p2, p0  }
0x20: {  	[sflag:s8] =	ssyncset.s32 @!p0 $0xFFFFF086;
	s6 =	sadd.s32 @!p0 s3, s7;
	s7 =	simm.s32 @!p0 $0x108  }
0x21: {  	s3 =	sadd.s32 s3, s9;
	s6 =	sadd.s32 @!p0 $0x88, s6;
	s7 =	simm.s32 @p2 $0x1082  }
0x22: {  	[simem:s7], [sflag:s8] =	dma.local @!p0 [hbm:s6], $0xF7A  }
0x23: {  	s9 =	sor.u32 $0xD0000000, s2;
	s6 =	simm.s32 $0x108;
	_ =	swait.ge @!p0 [sflag:s8], $0x0  }
0x24: {  	s3 =	sadd.s32 $0x88, s3;
	s6 =	simm.s32 @!p1 $0x1082;
	[sflag:s4] =	ssyncset.s32 $0xFFFFF086  }
0x25: {  	[simem:s6], [sflag:s4] =	dma.local [hbm:s3], $0xF7A  }
0x26: {  	[smem:$0x3F9D] =	sst s1;
	(tag) =	ssettag s2;
	_ =	strace s9  }
0x27: {  	s1 =	sld [smem:$0x3FAD]  }
0x28: {  	s2 =	sld [smem:$0x3FAE]  }
0x29: {  	s4 =	sld [smem:$0x3FB0]  }
0x2a: {  	p0 =	seq.s32 s5, $0x0;
	s5 =	sld [smem:$0x3FB1]  }
0x2b: {  	s6 =	sld [smem:$0x3FB2]  }
0x2c: {  	s7 =	sld [smem:$0x3FB3]  }
0x2d: {  	s3 =	simm.s32 $0x108;
	s8 =	sld [smem:$0x3FB4]  }
0x2e: {  	s3 =	simm.s32 @!p0 $0x1082;
	s9 =	sld [smem:$0x3FB5]  }
0x2f: {  	lr =	sadd.s32 s0, s3;
	s0 =	sld [smem:$0x3FAC]  }
0x30: {  	s3 =	sld [smem:$0x3FAF]  }
0x31: {  	[smem:$0x3FB8] =	sst s10  }
0x32: {  	s10 =	sld [smem:$0x3FB6];
	_ =	sdelay $0x3  }
0x33: {  	p0 =	seq.s32 s10, $0x1;
	s10 =	sld [smem:$0x3FB8];
	_ =	sdelay $0x3  }
0x34: {  	[smem:$0x3FB8] =	sst s10  }
0x35: {  	s10 =	sld [smem:$0x3FB7];
	_ =	sdelay $0x3  }
0x36: {  	p1 =	seq.s32 s10, $0x1;
	s10 =	sld [smem:$0x3FB8];
	_ =	sdelay $0x3  }
0x37: {  	[smem:$0x3FB8] =	sst s10  }
0x38: {  	s10 =	sld [smem:$0x3FB9]  }
0x39: {  	_ = 	snop;
	(pc) =	sbr.ind lr, $3  }
0x3a: {  	_ = 	snop  }
0x3b: {  	_ = 	snop  }
0x3c: {  	p2 =	seq.s32 s10, $0x1;
	s10 =	sld [smem:$0x3FB8]  }
0x3d: {  	_ =	shalt  }
0x3e: {  	_ =	shalt  }
0x3f: {  	_ =	shalt  }
0x40: {  	_ =	shalt  }
0x41: {  	_ =	shalt  }
0x42: {  	_ =	shalt  }
0x43: {  	_ =	shalt  }
0x44: {  	_ =	shalt  }
0x45: {  	_ =	shalt  }
0x46: {  	_ =	shalt  }
0x47: {  	_ =	shalt  }
0x48: {  	_ =	shalt  }
0x49: {  	_ =	shalt  }
0x4a: {  	_ =	shalt  }
0x4b: {  	_ =	shalt  }
0x4c: {  	_ =	shalt  }
0x4d: {  	_ =	shalt  }
0x4e: {  	_ =	shalt  }
0x4f: {  	_ =	shalt  }
0x50: {  	_ =	shalt  }
0x51: {  	_ =	shalt  }
0x52: {  	_ =	shalt  }
0x53: {  	_ =	shalt  }
0x54: {  	_ =	shalt  }
0x55: {  	_ =	shalt  }
0x56: {  	_ =	shalt  }
0x57: {  	_ =	shalt  }
0x58: {  	_ =	shalt  }
0x59: {  	_ =	shalt  }
0x5a: {  	_ =	shalt  }
0x5b: {  	_ =	shalt  }
0x5c: {  	_ =	shalt  }
0x5d: {  	_ =	shalt  }
0x5e: {  	_ =	shalt  }
0x5f: {  	_ =	shalt  }
0x60: {  	_ =	shalt  }
0x61: {  	_ =	shalt  }
0x62: {  	_ =	shalt  }
0x63: {  	_ =	shalt  }
0x64: {  	_ =	shalt  }
0x65: {  	_ =	shalt  }
0x66: {  	_ =	shalt  }
0x67: {  	_ =	shalt  }
0x68: {  	_ =	shalt  }
0x69: {  	_ =	shalt  }
0x6a: {  	_ =	shalt  }
0x6b: {  	_ =	shalt  }
0x6c: {  	_ =	shalt  }
0x6d: {  	_ =	shalt  }
0x6e: {  	_ =	shalt  }
0x6f: {  	_ =	shalt  }
0x70: {  	_ =	shalt  }
0x71: {  	_ =	shalt  }
0x72: {  	_ =	shalt  }
0x73: {  	_ =	shalt  }
0x74: {  	_ =	shalt  }
0x75: {  	_ =	shalt  }
0x76: {  	_ =	shalt  }
0x77: {  	_ =	shalt  }
0x78: {  	_ =	shalt  }
0x79: {  	_ =	shalt  }
0x7a: {  	_ =	shalt  }
0x7b: {  	_ =	shalt  }
0x7c: {  	_ =	shalt  }
0x7d: {  	_ =	shalt  }
0x7e: {  	_ =	shalt  }
0x7f: {  	_ =	shalt  }
0x80: {  	_ =	shalt  }
0x81: {  	_ =	shalt  }
0x82: {  	_ =	shalt  }
0x83: {  	_ =	shalt  }
0x84: {  	_ =	shalt  }
0x85: {  	_ =	shalt  }
0x86: {  	_ =	shalt  }
0x87: {  	_ =	shalt  }
.Lfunc_end0:
.L_simem_size_0:
called_computation_lowered:
.L_overlay_start_0:
0x88: {  	s2 =	sld [smem:$0x3FD9]  }
0x89: {  	s3 =	sld [smem:$0x3FFE];
	_ =	sdelay $0x1  }
0x8a: {  	s1 =	srdreg.scid  }
0x8b: {  	s0 =	sand.u32 $0x1, s1  }
0x8c: {  	s17 =	sshll.u32 s0, $0xA;
	s2 =	sadd.s32 s3, s2  }
0x8d: {  	s2 =	sadd.s32 s2, s17  }
0x8e: {  	[smem:$0x3FC4] =	sst s2  }
0x8f: {  	_ = 	snop  }
0x90: {  	s2 =	sld [smem:$0x3FD0];
	(tm) =	ssettm $0x1  }
0x91: {  	s18 =	sld [smem:$0x3FFB];
	_ =	sdelay $0x3  }
0x92: {  	_ =	strace s18  }
0x93: {  	s3 =	sld [smem:$0x3FFC];
	_ =	sdelay $0x3  }
0x94: {  	_ =	strace s3  }
0x95: {  	s3 =	sld [smem:$0x3FFD];
	_ =	sdelay $0x3  }
0x96: {  	_ =	strace s3  }
0x97: {  	_ =	strace $0x8FFFFFFF  }
0x98: {  	s19 =	sld [smem:$0x3FDB];
	_ =	sdelay $0x1  }
0x99: {  	s4 =	simm.s32 $_scs_section_size  }
0x9a: {  	s5 =	simm.s32 $_size__tile_overlayer_lowered;
	s6 =	simm.s32 $_tile_overlayer_lowered  }
0x9b: {  	s22 =	simm.s32 $0x1BFF;
	s21 =	sshll.u32 s6, $0x1;
	s3 =	sadd.s32 s4, s19  }
0x9c: {  	s7 =	simm.s32 $0x0;
	s20 =	sshll.u32 s5, $0x1;
	s5 =	sadd.s32 s21, s3  }
0x9d: {  	[timem:s7], [sflag:s22] =	dma.local [hbm:s5], s20  }
0x9e: {  	_ =	swait.ge [sflag:s22], s20  }
0x9f: {  	s4 =	ssub.s32 $0x0, s20;
	[sflag:s22] =	ssyncset.done $0x0  }
0xa0: {  	[sflag:s22] =	ssyncadd.s32 s4;
	_ =	sdelay $0x1  }
0xa1: {  	s23 =	simm.s32 $0x1B8B  }
0xa2: {  	_ =	swait.ge [sflag:s23], $0x1  }
0xa3: {  	[sflag:s23] =	ssyncset.done $0x0  }
0xa4: {  	s25 =	simm.s32 $0x1B8E;
	s24 =	sld [smem:$0x3FFE];
	[sflag:s23] =	ssyncadd.s32 $0xFFFFFFFF  }
0xa5: {  	s26 =	simm.s32 $execute0_lowered;
	[smem:$0x3FD2] =	sst s25  }
0xa6: {  	s5 =	sshll.u32 s26, $0x1;
	_ =	strace $0x80000046;
	[dreg:$0x1] =	wrdreg $0xFFFFFFFF  }
0xa7: {  	s28 =	simm.s32 $_size_execute0_lowered;
	s3 =	sadd.s32 s3, s5;
	[dreg:$0x0] =	wrdreg $0x0  }
0xa8: {  	s5 =	sshll.u32 s28, $0x1;
	[dreg:$0x2] =	wrdreg s3  }
0xa9: {  	[dreg:$0x3] =	wrdreg s5  }
0xaa: {  	[dreg:$0x4] =	wrdreg $0xC0  }
0xab: {  	_ =	task [dreg:s7], $0x5FFFF  }
0xac: {  	[dreg:$0x1] =	wrdreg $0xFFFFFFFF  }
0xad: {  	[dreg:$0x0] =	wrdreg $0x60  }
0xae: {  	[dreg:$0x2] =	wrdreg s24  }
0xaf: {  	[dreg:$0x3] =	wrdreg s2  }
0xb0: {  	[dreg:$0x4] =	wrdreg $0x28800  }
0xb1: {  	[dreg:$0x5] =	wrdreg $0x9  }
0xb2: {  	_ =	task.clear_ibuf [dreg:s7], $0x6FFFF;
	_ =	strace $0x90000046  }
0xb3: {  	s29 =	simm.s32 $0x9;
	_ =	strace $0x80000048  }
0xb4: {  	_ =	swait.ge [sflag:s29], $0x1  }
0xb5: {  	[sflag:s29] =	ssyncadd.s32 $0xFFFFFFFF  }
0xb6: {  	_ =	strace $0x90000048  }
0xb7: {  	_ =	sfence  }
0xb8: {  	s30 =	sld [smem:$0x0];
	_ =	sdelay $0x2  }
0xb9: {  	s31 =	sshll.u32 s1, $0xD;
	s1 =	sshrl.u32 s1, $0x2  }
0xba: {  	s3 =	sand.u32 $0x4000, s31;
	s1 =	sadd.s32 s1, s30  }
0xbb: {  	s0 =	sor.u32 s3, s0;
	s1 =	sshll.u32 s1, $0x11  }
0xbc: {  	s0 =	sor.u32 s1, s0  }
0xbd: {  	s0 =	sadd.s32 $0x8F2B, s0  }
0xbe: {  	[sflag:s0] =	ssyncadd.remote.s32 $0x1  }
0xbf: {  	_ =	sfence.sel $0xFFFF  }
0xc0: {  	[dreg:$0x0] =	wrdreg $0xFFFFFFFF;
	(pc) =	sbr.abs _section_cstart, $3  }
0xc1: {  	[dreg:$0x1] =	wrdreg $0xFFFFFFFF  }
0xc2: {  	_ =	task.clear_ibuf [dreg:s7], $0x2FFFF;
	_ =	strace $0x9FFFFFFF  }
0xc3: {  	(tm) =	ssettm $0x7FFFFFFF  }
tec
execute0_lowered:
.L_overlay_start_1:
0x0: {  	(tag) =	ssettag $0x1  }
0x1: {  	s4 =	rddreg [dreg:$0x0]  }
0x2: {  	s0 =	srdreg.scid;
	s6 =	rddreg [dreg:$0x1]  }
0x3: {  	s2 =	rddreg [dreg:$0x2];
	s3 =	simm.s32 $0x0;
	s12 =	simm.s32 $0x2800  }
0x4: {  	s13 =	simm.s32 $0x1;
	s14 =	simm.s32 $0x20;
	s15 =	simm.s32 $0x10  }
0x5: {  	s16 =	simm.s32 $0x0;
	s5 =	sand.u32 $0x1, s0;
	s0 =	stileid.u32  }
0x6: {  	[smem:$0x7FF] =	sst s3;
	s1 =	sshll.u32 s5, $0x4;
	s8 =	smul.u32 $0x280, s0  }
0x7: {  	s10 =	ssub.s32 $0x2, s5;
	s11 =	smul.u32 $0x500, s0;
	s5 =	sshll.u32 s5, $0x7  }
0x8: {  	s31 =	sshll.u32 s0, $0x6;
	s7 =	sor.u32 s0, s1;
	s1 =	rddreg [dreg:$0x3]  }
0x9: {  	_ =	strace $0x80000047;
	s28 =	sshrl.u32 s10, $0x1;
	s7 =	smul.u32 $0x500, s7  }
0xa: {  	s9 =	sshrl.u32 s8, $0x3;
	s10 =	ssub.s32 s10, s28;
	s29 =	sor.u32 s5, s11  }
0xb: {  	s30 =	sadd.s32 s8, s2;
	s8 =	simm.s32 $0x2;
	s9 =	sadd.s32 s9, s4  }
0xc: {  	s11 =	simm.s32 $0x7D;
	s7 =	sadd.s32 s7, s4;
	s5 =	sadd.s32 $0xB600, s9  }
0xd: {  	s9 =	sor.u32 $0x1C02, s31;
	s4 =	sadd.s32 $0x1600, s7;
	s7 =	sshrl.u32 s29, $0x3  }
0xe: {  	v0 =	vimm.f32 $1.000000000e+00;
	s6 =	sadd.s32 s6, s7;
	s7 =	smax.u32 s10, $0x1;
	s10 =	sshrl.u32 s30, $0x3  }
.LBB2_1:
0xf: {  	[tilespmem:s3], [sflag:$0x2] =	stream.linear.gather [hbm4b:s4+s3], $0x2800, $0x38;
	[tilespmem:$0x2B00] =	vst v63  }
0x10: {  	_ =	swait.ge [sflag:s8], $0x2800  }
0x11: {  	[sflag:s8] =	ssyncset.done $0x0  }
0x12: {  	[sflag:s8] =	ssyncadd.s32 $0xFFFFD800  }
0x13: {  	[spmem:s10], [sflag:s9] =	dma.local [hbm:s5], $0x50  }
0x14: {  	_ =	swait.ge [sflag:s8], $0x50  }
0x15: {  	[sflag:s8] =	ssyncset.done $0x0  }
0x16: {  	[sflag:s8] =	ssyncadd.s32 $0xFFFFFFB0  }
0x17: {  	[tilespmem:$0x2800] =	vst v0  }
0x18: {  	[tilespmem:$0x2810] =	vst v0  }
0x19: {  	[tilespmem:$0x2820] =	vst v0  }
0x1a: {  	[tilespmem:$0x2830] =	vst v0  }
0x1b: {  	[tilespmem:$0x2840] =	vst v0  }
0x1c: {  	[tilespmem:$0x2850] =	vst v0  }
0x1d: {  	[tilespmem:$0x2860] =	vst v0  }
0x1e: {  	[tilespmem:$0x2870] =	vst v0  }
0x1f: {  	s17 =	simm.s32 $0x0;
	[bflag:$0x0] =	sbarrier.arrive $0xFFFF  }
.LBB2_2:
0x20: {  	p0 =	sne.s32 s17, $0x9E00  }
.Ltmp0:
0x21: {  	_ = 	snop;
	(pc) =	sbr.rel @p0 .LBB2_2-.Ltmp0, $3  }
0x22: {  	_ =	sdelay $0x1  }
0x23: {  	s18 =	sshra.s32 s17, $0x2;
	s17 =	sadd.s32 $0x200, s17  }
0x24: {  	[spmem:s2] =	stream.indirect.scatter.add.f32 [tilespmem:s12], [sflag:$0x1], $0x1, s18, s11, $0xb8;
	[tilespmem:$0x2B00] =	vst v63  }
0x25: {  	_ =	swait.ge [sflag:s13], $0x7D  }
0x26: {  	s17 =	simm.s32 $0x4F;
	[sflag:s13] =	ssyncset.done $0x0  }
.LBB2_4:
0x27: {  	p0 =	sne.s32 s17, $0x1;
	s17 =	sadd.s32 $0xFFFFFFFF, s17;
	[sflag:s13] =	ssyncadd.s32 $0xFFFFFF83  }
.Ltmp1:
0x28: {  	(pc) =	sbr.rel @p0 .LBB2_4-.Ltmp1, $3  }
0x29: {  	_ =	sdelay $0x1  }
0x2a: {  	_ =	swait.ge [sflag:s13], $0x7D  }
0x2b: {  	[sflag:s13] =	ssyncset.done $0x0  }
0x2c: {  	s16 =	sadd.s32 $0x1, s16  }
0x2d: {  	[sflag:s13] =	ssyncadd.s32 $0xFFFFFF83;
	p0 =	sne.s32 s16, s7  }
.Ltmp2:
0x2e: {  	[bflag:$0x0] =	sbarrier.arrive $0xFFFF;
	(pc) =	sbr.rel @p0 .LBB2_1-.Ltmp2, $4  }
0x2f: {  	[hbm:s6@s14], [sflag:s9] =	dma.strided [spmem:s10@s15], $0x50, s13, $0x10   }
0x30: {  	_ =	swait.ge [sflag:s8], $0x50  }
0x31: {  	[sflag:s8] =	ssyncset.done $0x0  }
0x32: {  	[sflag:s8] =	ssyncadd.s32 $0xFFFFFFB0  }
0x33: {  	_ =	sfence.sel $0x180000  }
0x34: {  	[bflag:$0x0] =	sbarrier.arrive $0xFFFF  }
0x35: {  	p0 =	sne.s32 s0, $0x0;
	_ =	strace $0x90000047  }
0x36: {  	s0 =	sadd.s32 @!p0 $0x100000, s1;
	[bflag:$0x2] =	sbarrier.arrive $0xFFFF  }
0x37: {  	[sflag:s0] =	ssyncadd.tile.s32 @!p0 $0x1;
	_ =	shalt  }
.Lfunc_end2:
_tile_overlayer_lowered:
.L_overlay_start_2:
0x38: {  	(tag) =	ssettag $0x2  }
0x39: {  	s0 =	rddreg [dreg:$0x0];
	s2 =	stileid.u32  }
0x3a: {  	s1 =	rddreg [dreg:$0x1];
	p0 =	sne.s32 s2, $0x0  }
0x3b: {  	s3 =	rddreg [dreg:$0x2];
	[bflag:$0x3] =	sbarrier.arrive $0xFFFF;
	s2 =	simm.s32 @!p0 $0x1C02  }
0x3c: {  	[timem:s3], [sflag:s2] =	dma.local @!p0 [hbm:s0], s1  }
0x3d: {  	s0 =	simm.s32 @!p0 $0x2  }
0x3e: {  	_ =	swait.ge @!p0 [sflag:s0], s1  }
0x3f: {  	s1 =	ssub.s32 @!p0 $0x0, s1;
	[sflag:s0] =	ssyncset.done @!p0 $0x0  }
0x40: {  	[sflag:s0] =	ssyncadd.s32 @!p0 s1  }
0x41: {  	[bflag:$0x3] =	sbarrier.arrive $0xFFFF  }
0x42: {  	_ =	shalt  }

// kernel: kernel.9.cloned.1.call-start
scs
__scs_entry_jumppad:
0x0: {  	(pc) =	sbr.rel $0x88, $3  }
0x1: {  	(tag) =	ssettag $0x0;
	lr =	simm.s32 $0x1  }
0x2: {  	[smem:$0x3F9D] =	sst lr;
	_ =	strace $0xD0000000  }
0x3: {  	_ = 	snop  }
0x4: {  	_ = 	snop  }
0x5: {  	_ = 	snop  }
0x6: {  	_ = 	snop  }
0x7: {  	_ = 	snop  }
__scs_overlays_trampoline_lowered:
0x8: {  	[smem:$0x3FAC] =	sst s0  }
0x9: {  	[smem:$0x3FAD] =	sst s1  }
0xa: {  	[smem:$0x3FAE] =	sst s2  }
0xb: {  	[smem:$0x3FAF] =	sst s3  }
0xc: {  	[smem:$0x3FB0] =	sst s4  }
0xd: {  	[smem:$0x3FB1] =	sst s5  }
0xe: {  	[smem:$0x3FB2] =	sst s6  }
0xf: {  	[smem:$0x3FB3] =	sst s7  }
0x10: {  	[smem:$0x3FB4] =	sst s8  }
0x11: {  	[smem:$0x3FB5] =	sst s9;
	s0 =	simm.s32 @!p0 $0x0  }
0x12: {  	s1 =	sld [smem:$0x3F9B];
	s0 =	simm.s32 @p0 $0x1  }
0x13: {  	[smem:$0x3FB6] =	sst s0;
	s0 =	simm.s32 @!p1 $0x0  }
0x14: {  	s2 =	sld [smem:$0x3F9A];
	s0 =	simm.s32 @p1 $0x1  }
0x15: {  	[smem:$0x3FB7] =	sst s0;
	s0 =	simm.s32 @!p2 $0x0  }
0x16: {  	s3 =	sld [smem:$0x3FDB];
	s0 =	simm.s32 @p2 $0x1  }
0x17: {  	s4 =	simm.s32 $0x1BF5;
	[smem:$0x3FB9] =	sst s0  }
0x18: {  	s0 =	sld [smem:$0x3F9C];
	_ =	swait.ge [sflag:s4], $0x0  }
0x19: {  	s7 =	sld [smem:$0x3F9D]  }
0x1a: {  	s8 =	sadd.s32 $0xFFFFE003, lr  }
0x1b: {  	s9 =	sadd.s32 $0xFFFFFEF7, lr;
	s5 =	simm.s32 $0xFFFFFFFF;
	p2 =	slt.u32 s8, $0xFFFFF086  }
0x1c: {  	p1 =	slt.u32 s9, $0xF7A;
	s5 =	simm.s32 @!p2 $0x0  }
0x1d: {  	s5 =	simm.s32 @p1 $0x1;
	p0 =	seq.s32 s7, s2  }
0x1e: {  	s7 =	smul.u32 @!p0 $0xF7A, s2;
	p2 =	seq.s32 @!p0 s5, $0x0  }
0x1f: {  	s9 =	smul.u32 $0xF7A, s1;
	s8 =	simm.s32 @!p0 $0x1BF5;
	p2 =	por !p2, p0  }
0x20: {  	[sflag:s8] =	ssyncset.s32 @!p0 $0xFFFFF086;
	s6 =	sadd.s32 @!p0 s3, s7;
	s7 =	simm.s32 @!p0 $0x108  }
0x21: {  	s3 =	sadd.s32 s3, s9;
	s6 =	sadd.s32 @!p0 $0x88, s6;
	s7 =	simm.s32 @p2 $0x1082  }
0x22: {  	[simem:s7], [sflag:s8] =	dma.local @!p0 [hbm:s6], $0xF7A  }
0x23: {  	s9 =	sor.u32 $0xD0000000, s2;
	s6 =	simm.s32 $0x108;
	_ =	swait.ge @!p0 [sflag:s8], $0x0  }
0x24: {  	s3 =	sadd.s32 $0x88, s3;
	s6 =	simm.s32 @!p1 $0x1082;
	[sflag:s4] =	ssyncset.s32 $0xFFFFF086  }
0x25: {  	[simem:s6], [sflag:s4] =	dma.local [hbm:s3], $0xF7A  }
0x26: {  	[smem:$0x3F9D] =	sst s1;
	(tag) =	ssettag s2;
	_ =	strace s9  }
0x27: {  	s1 =	sld [smem:$0x3FAD]  }
0x28: {  	s2 =	sld [smem:$0x3FAE]  }
0x29: {  	s4 =	sld [smem:$0x3FB0]  }
0x2a: {  	p0 =	seq.s32 s5, $0x0;
	s5 =	sld [smem:$0x3FB1]  }
0x2b: {  	s6 =	sld [smem:$0x3FB2]  }
0x2c: {  	s7 =	sld [smem:$0x3FB3]  }
0x2d: {  	s3 =	simm.s32 $0x108;
	s8 =	sld [smem:$0x3FB4]  }
0x2e: {  	s3 =	simm.s32 @!p0 $0x1082;
	s9 =	sld [smem:$0x3FB5]  }
0x2f: {  	lr =	sadd.s32 s0, s3;
	s0 =	sld [smem:$0x3FAC]  }
0x30: {  	s3 =	sld [smem:$0x3FAF]  }
0x31: {  	[smem:$0x3FB8] =	sst s10  }
0x32: {  	s10 =	sld [smem:$0x3FB6];
	_ =	sdelay $0x3  }
0x33: {  	p0 =	seq.s32 s10, $0x1;
	s10 =	sld [smem:$0x3FB8];
	_ =	sdelay $0x3  }
0x34: {  	[smem:$0x3FB8] =	sst s10  }
0x35: {  	s10 =	sld [smem:$0x3FB7];
	_ =	sdelay $0x3  }
0x36: {  	p1 =	seq.s32 s10, $0x1;
	s10 =	sld [smem:$0x3FB8];
	_ =	sdelay $0x3  }
0x37: {  	[smem:$0x3FB8] =	sst s10  }
0x38: {  	s10 =	sld [smem:$0x3FB9]  }
0x39: {  	_ = 	snop;
	(pc) =	sbr.ind lr, $3  }
0x3a: {  	_ = 	snop  }
0x3b: {  	_ = 	snop  }
0x3c: {  	p2 =	seq.s32 s10, $0x1;
	s10 =	sld [smem:$0x3FB8]  }
0x3d: {  	_ =	shalt  }
0x3e: {  	_ =	shalt  }
0x3f: {  	_ =	shalt  }
0x40: {  	_ =	shalt  }
0x41: {  	_ =	shalt  }
0x42: {  	_ =	shalt  }
0x43: {  	_ =	shalt  }
0x44: {  	_ =	shalt  }
0x45: {  	_ =	shalt  }
0x46: {  	_ =	shalt  }
0x47: {  	_ =	shalt  }
0x48: {  	_ =	shalt  }
0x49: {  	_ =	shalt  }
0x4a: {  	_ =	shalt  }
0x4b: {  	_ =	shalt  }
0x4c: {  	_ =	shalt  }
0x4d: {  	_ =	shalt  }
0x4e: {  	_ =	shalt  }
0x4f: {  	_ =	shalt  }
0x50: {  	_ =	shalt  }
0x51: {  	_ =	shalt  }
0x52: {  	_ =	shalt  }
0x53: {  	_ =	shalt  }
0x54: {  	_ =	shalt  }
0x55: {  	_ =	shalt  }
0x56: {  	_ =	shalt  }
0x57: {  	_ =	shalt  }
0x58: {  	_ =	shalt  }
0x59: {  	_ =	shalt  }
0x5a: {  	_ =	shalt  }
0x5b: {  	_ =	shalt  }
0x5c: {  	_ =	shalt  }
0x5d: {  	_ =	shalt  }
0x5e: {  	_ =	shalt  }
0x5f: {  	_ =	shalt  }
0x60: {  	_ =	shalt  }
0x61: {  	_ =	shalt  }
0x62: {  	_ =	shalt  }
0x63: {  	_ =	shalt  }
0x64: {  	_ =	shalt  }
0x65: {  	_ =	shalt  }
0x66: {  	_ =	shalt  }
0x67: {  	_ =	shalt  }
0x68: {  	_ =	shalt  }
0x69: {  	_ =	shalt  }
0x6a: {  	_ =	shalt  }
0x6b: {  	_ =	shalt  }
0x6c: {  	_ =	shalt  }
0x6d: {  	_ =	shalt  }
0x6e: {  	_ =	shalt  }
0x6f: {  	_ =	shalt  }
0x70: {  	_ =	shalt  }
0x71: {  	_ =	shalt  }
0x72: {  	_ =	shalt  }
0x73: {  	_ =	shalt  }
0x74: {  	_ =	shalt  }
0x75: {  	_ =	shalt  }
0x76: {  	_ =	shalt  }
0x77: {  	_ =	shalt  }
0x78: {  	_ =	shalt  }
0x79: {  	_ =	shalt  }
0x7a: {  	_ =	shalt  }
0x7b: {  	_ =	shalt  }
0x7c: {  	_ =	shalt  }
0x7d: {  	_ =	shalt  }
0x7e: {  	_ =	shalt  }
0x7f: {  	_ =	shalt  }
0x80: {  	_ =	shalt  }
0x81: {  	_ =	shalt  }
0x82: {  	_ =	shalt  }
0x83: {  	_ =	shalt  }
0x84: {  	_ =	shalt  }
0x85: {  	_ =	shalt  }
0x86: {  	_ =	shalt  }
0x87: {  	_ =	shalt  }
.Lfunc_end0:
.L_simem_size_0:
called_computation.1_lowered:
.L_overlay_start_0:
0x88: {  	s2 =	sld [smem:$0x3FD9]  }
0x89: {  	s3 =	sld [smem:$0x3FFE];
	_ =	sdelay $0x1  }
0x8a: {  	s1 =	srdreg.scid  }
0x8b: {  	s0 =	sand.u32 $0x1, s1  }
0x8c: {  	s17 =	sshll.u32 s0, $0xA;
	s2 =	sadd.s32 s3, s2  }
0x8d: {  	s2 =	sadd.s32 s2, s17  }
0x8e: {  	[smem:$0x3FC4] =	sst s2  }
0x8f: {  	_ = 	snop  }
0x90: {  	s2 =	sld [smem:$0x3FD0];
	(tm) =	ssettm $0x1  }
0x91: {  	s18 =	sld [smem:$0x3FFB];
	_ =	sdelay $0x3  }
0x92: {  	_ =	strace s18  }
0x93: {  	s3 =	sld [smem:$0x3FFC];
	_ =	sdelay $0x3  }
0x94: {  	_ =	strace s3  }
0x95: {  	s3 =	sld [smem:$0x3FFD];
	_ =	sdelay $0x3  }
0x96: {  	_ =	strace s3  }
0x97: {  	_ =	strace $0x8FFFFFFF  }
0x98: {  	s19 =	sld [smem:$0x3FDB];
	_ =	sdelay $0x1  }
0x99: {  	s4 =	simm.s32 $_scs_section_size  }
0x9a: {  	s5 =	simm.s32 $_size__tile_overlayer_lowered;
	s6 =	simm.s32 $_tile_overlayer_lowered  }
0x9b: {  	s22 =	simm.s32 $0x1BFF;
	s21 =	sshll.u32 s6, $0x1;
	s3 =	sadd.s32 s4, s19  }
0x9c: {  	s7 =	simm.s32 $0x0;
	s20 =	sshll.u32 s5, $0x1;
	s5 =	sadd.s32 s21, s3  }
0x9d: {  	[timem:s7], [sflag:s22] =	dma.local [hbm:s5], s20  }
0x9e: {  	_ =	swait.ge [sflag:s22], s20  }
0x9f: {  	s4 =	ssub.s32 $0x0, s20;
	[sflag:s22] =	ssyncset.done $0x0  }
0xa0: {  	[sflag:s22] =	ssyncadd.s32 s4;
	_ =	sdelay $0x1  }
0xa1: {  	s23 =	simm.s32 $0x1B8B  }
0xa2: {  	_ =	swait.ge [sflag:s23], $0x1  }
0xa3: {  	[sflag:s23] =	ssyncset.done $0x0  }
0xa4: {  	s25 =	simm.s32 $0x1B8E;
	s24 =	sld [smem:$0x3FFE];
	[sflag:s23] =	ssyncadd.s32 $0xFFFFFFFF  }
0xa5: {  	s26 =	simm.s32 $execute0_lowered;
	[smem:$0x3FD2] =	sst s25  }
0xa6: {  	s5 =	sshll.u32 s26, $0x1;
	_ =	strace $0x80000049;
	[dreg:$0x1] =	wrdreg $0xFFFFFFFF  }
0xa7: {  	s28 =	simm.s32 $_size_execute0_lowered;
	s3 =	sadd.s32 s3, s5;
	[dreg:$0x0] =	wrdreg $0x0  }
0xa8: {  	s5 =	sshll.u32 s28, $0x1;
	[dreg:$0x2] =	wrdreg s3  }
0xa9: {  	[dreg:$0x3] =	wrdreg s5  }
0xaa: {  	[dreg:$0x4] =	wrdreg $0xC0  }
0xab: {  	_ =	task [dreg:s7], $0x5FFFF  }
0xac: {  	[dreg:$0x1] =	wrdreg $0xFFFFFFFF  }
0xad: {  	[dreg:$0x0] =	wrdreg $0x60  }
0xae: {  	[dreg:$0x2] =	wrdreg s24  }
0xaf: {  	[dreg:$0x3] =	wrdreg s2  }
0xb0: {  	[dreg:$0x4] =	wrdreg $0xA8000  }
0xb1: {  	[dreg:$0x5] =	wrdreg $0x9  }
0xb2: {  	_ =	task.clear_ibuf [dreg:s7], $0x6FFFF;
	_ =	strace $0x90000049  }
0xb3: {  	s29 =	simm.s32 $0x9;
	_ =	strace $0x8000004B  }
0xb4: {  	_ =	swait.ge [sflag:s29], $0x1  }
0xb5: {  	[sflag:s29] =	ssyncadd.s32 $0xFFFFFFFF  }
0xb6: {  	_ =	strace $0x9000004B  }
0xb7: {  	_ =	sfence  }
0xb8: {  	s30 =	sld [smem:$0x0];
	_ =	sdelay $0x2  }
0xb9: {  	s31 =	sshll.u32 s1, $0xD;
	s1 =	sshrl.u32 s1, $0x2  }
0xba: {  	s3 =	sand.u32 $0x4000, s31;
	s1 =	sadd.s32 s1, s30  }
0xbb: {  	s0 =	sor.u32 s3, s0;
	s1 =	sshll.u32 s1, $0x11  }
0xbc: {  	s0 =	sor.u32 s1, s0  }
0xbd: {  	s0 =	sadd.s32 $0x8F2B, s0  }
0xbe: {  	[sflag:s0] =	ssyncadd.remote.s32 $0x1  }
0xbf: {  	_ =	sfence.sel $0xFFFF  }
0xc0: {  	[dreg:$0x0] =	wrdreg $0xFFFFFFFF;
	(pc) =	sbr.abs _section_cstart, $3  }
0xc1: {  	[dreg:$0x1] =	wrdreg $0xFFFFFFFF  }
0xc2: {  	_ =	task.clear_ibuf [dreg:s7], $0x2FFFF;
	_ =	strace $0x9FFFFFFF  }
0xc3: {  	(tm) =	ssettm $0x7FFFFFFF  }
tec
execute0_lowered:
.L_overlay_start_1:
0x0: {  	(tag) =	ssettag $0x1  }
0x1: {  	s6 =	rddreg [dreg:$0x0]  }
0x2: {  	s1 =	rddreg [dreg:$0x1]  }
0x3: {  	s3 =	rddreg [dreg:$0x2];
	s4 =	simm.s32 $0x0;
	s0 =	stileid.u32  }
0x4: {  	s7 =	srdreg.scid;
	s18 =	simm.s32 $0x1400;
	s19 =	simm.s32 $0x7D  }
0x5: {  	s20 =	simm.s32 $0x2800;
	s21 =	simm.s32 $0x6800;
	s22 =	simm.s32 $0x1  }
0x6: {  	s23 =	simm.s32 $0x2;
	s24 =	simm.s32 $0x1380;
	s25 =	simm.s32 $0x2700  }
0x7: {  	s28 =	simm.s32 $0x0;
	[smem:$0x7FF] =	sst s4;
	s5 =	smul.u32 $0x2780, s0  }
0x8: {  	s12 =	sadd.s32 $0xBC00, s6;
	s7 =	sand.u32 $0x1, s7;
	s13 =	sadd.s32 $0x1600, s6  }
0x9: {  	s9 =	sadd.s32 $0x3CE00, s6;
	s11 =	smul.u32 $0x4F000, s0;
	s15 =	sadd.s32 $0x128400, s3  }
0xa: {  	s14 =	smul.u32 $0x13C00, s0;
	p0 =	seq.s32 s0, $0xF;
	_ =	strace $0x8000004A  }
0xb: {  	s8 =	ssub.s32 $0x2, s7;
	s26 =	sshll.u32 s7, $0x4;
	s7 =	smul.u32 $0x138800, s7  }
0xc: {  	s5 =	sadd.s32 s5, s6;
	s10 =	sshrl.u32 s8, $0x1;
	s11 =	sshrl.u32 s11, $0x2  }
0xd: {  	s6 =	sadd.s32 $0x3AC80, s6;
	s10 =	ssub.s32 s8, s10;
	s8 =	sor.u32 s0, s26  }
0xe: {  	s16 =	sadd.s32 s11, s3;
	s5 =	sadd.s32 $0x15C00, s5;
	s29 =	sadd.s32 s14, s7  }
0xf: {  	s7 =	sshrl.u32 s7, $0x3;
	s14 =	sshrl.u32 @p0 s15, $0x3;
	s26 =	simm.s32 $0x2780  }
0x10: {  	s11 =	sshrl.u32 s29, $0x3;
	s30 =	sadd.s32 s9, s7;
	s17 =	smul.u32 $0x500, s8  }
0x11: {  	s16 =	sshrl.u32 @!p0 s16, $0x3;
	s7 =	sadd.s32 s9, s11;
	s8 =	sadd.s32 $0x25080, s30  }
0x12: {  	s9 =	smax.u32 s10, $0x1;
	s10 =	sadd.s32 s12, s17;
	s31 =	sadd.s32 $0x280, s17  }
0x13: {  	s11 =	sadd.s32 s13, s17;
	s17 =	sshll.u32 @!p0 s0, $0x6;
	s12 =	sadd.s32 s12, s31  }
0x14: {  	s13 =	sadd.s32 s13, s31;
	s15 =	sor.u32 @!p0 $0x1C03, s17;
	s17 =	simm.s32 $0x3  }
.LBB2_1:
0x15: {  	s29 =	simm.s32 @p0 $0x1FC3  }
0x16: {  	[spmem:s14], [sflag:s29] =	dma.local @p0 [hbm:s6], $0x2080  }
0x17: {  	s29 =	simm.s32 @p0 $0x3  }
0x18: {  	_ =	swait.ge @p0 [sflag:s29], $0x2080  }
0x19: {  	[sflag:s29] =	ssyncset.done @p0 $0x0  }
0x1a: {  	[sflag:s29] =	ssyncadd.s32 @p0 $0xFFFFDF80;
	s29 =	simm.s32 @!p0 $0x3  }
0x1b: {  	[spmem:s16], [sflag:s15] =	dma.local @!p0 [hbm:s5], $0x2780  }
0x1c: {  	_ =	swait.ge @!p0 [sflag:s29], $0x2780  }
0x1d: {  	[sflag:s29] =	ssyncset.done @!p0 $0x0  }
0x1e: {  	[sflag:s29] =	ssyncadd.s32 @!p0 $0xFFFFD880  }
0x1f: {  	[bflag:$0x0] =	sbarrier.arrive $0xFFFF  }
0x20: {  	[tilespmem:s4], [sflag:$0x3] =	stream.linear.gather [hbm4b:s10+s4], $0x1400, $0x38;
	[tilespmem:$0x1E080] =	vst v63  }
0x21: {  	_ =	swait.ge [sflag:s17], $0x1400  }
0x22: {  	[sflag:s17] =	ssyncset.done $0x0  }
0x23: {  	[sflag:s17] =	ssyncadd.s32 $0xFFFFEC00  }
0x24: {  	[tilespmem:s18], [sflag:$0x3] =	stream.linear.gather [hbm4b:s11+s4], $0x1400, $0x38;
	[tilespmem:$0x1E080] =	vst v63  }
0x25: {  	_ =	swait.ge [sflag:s17], $0x1400  }
0x26: {  	[sflag:s17] =	ssyncset.done $0x0  }
0x27: {  	[sflag:s17] =	ssyncadd.s32 $0xFFFFEC00  }
0x28: {  	[tilespmem:s20], [sflag:$0x1] =	stream.indirect.gather [hbm4b:s1+s19], $0x80, s4, s19, $0xb8;
	[tilespmem:$0x1E080] =	vst v63  }
0x29: {  	s29 =	simm.s32 $0x80  }
0x2a: {  	[tilespmem:s21], [sflag:$0x2] =	stream.indirect.gather [hbm4b:s1+s19], $0x80, s29, s19, $0xb8;
	[tilespmem:$0x1E080] =	vst v63  }
0x2b: {  	_ =	swait.ge [sflag:s22], $0x3E80  }
0x2c: {  	[sflag:s22] =	ssyncset.done $0x0  }
0x2d: {  	s29 =	simm.s32 $0x1400;
	[sflag:s22] =	ssyncadd.s32 $0xFFFFC180  }
0x2e: {  	[spmem:s3] =	stream.indirect.scatter.add.f32 [tilespmem:s20], [sflag:$0x3], $0x80, s29, s19, $0xb8;
	[tilespmem:$0x1E080] =	vst v63  }
0x2f: {  	_ =	swait.ge [sflag:s17], $0x3E80  }
0x30: {  	[sflag:s17] =	ssyncset.done $0x0  }
0x31: {  	s29 =	simm.s32 $0x100;
	[sflag:s17] =	ssyncadd.s32 $0xFFFFC180  }
0x32: {  	[tilespmem:s20], [sflag:$0x1] =	stream.indirect.gather [hbm4b:s1+s19], $0x80, s29, s19, $0xb8;
	[tilespmem:$0x1E080] =	vst v63  }
0x33: {  	_ =	swait.ge [sflag:s23], $0x3E80  }
0x34: {  	[sflag:s23] =	ssyncset.done $0x0  }
0x35: {  	s29 =	simm.s32 $0x1480;
	[sflag:s23] =	ssyncadd.s32 $0xFFFFC180  }
0x36: {  	[spmem:s3] =	stream.indirect.scatter.add.f32 [tilespmem:s21], [sflag:$0x3], $0x80, s29, s19, $0xb8;
	[tilespmem:$0x1E080] =	vst v63  }
0x37: {  	_ =	swait.ge [sflag:s17], $0x3E80  }
0x38: {  	s30 =	simm.s32 $0x800;
	s29 =	simm.s32 $0x100;
	[sflag:s17] =	ssyncset.done $0x0  }
.LBB2_2:
0x39: {  	s31 =	sadd.s32 $0x80, s29  }
0x3a: {  	[sflag:s17] =	ssyncadd.s32 $0xFFFFC180;
	s0 =	smov.u32 s30;
	s2 =	sadd.s32 $0x400, s30  }
0x3b: {  	[tilespmem:s21], [sflag:$0x2] =	stream.indirect.gather [hbm4b:s1+s19], $0x80, s31, s19, $0xb8;
	[tilespmem:$0x1E080] =	vst v63  }
0x3c: {  	p1 =	sne.s32 s30, $0x4800;
	_ =	swait.ge [sflag:s22], $0x3E80  }
0x3d: {  	[sflag:s22] =	ssyncset.done $0x0  }
0x3e: {  	s30 =	sadd.s32 $0x1400, s29;
	[sflag:s22] =	ssyncadd.s32 $0xFFFFC180  }
0x3f: {  	[spmem:s3] =	stream.indirect.scatter.add.f32 [tilespmem:s20], [sflag:$0x3], $0x80, s30, s19, $0xb8;
	[tilespmem:$0x1E080] =	vst v63  }
0x40: {  	_ =	swait.ge [sflag:s17], $0x3E80  }
0x41: {  	[sflag:s17] =	ssyncset.done $0x0  }
0x42: {  	s30 =	sadd.s32 $0x100, s29;
	[sflag:s17] =	ssyncadd.s32 $0xFFFFC180  }
0x43: {  	[tilespmem:s20], [sflag:$0x1] =	stream.indirect.gather [hbm4b:s1+s19], $0x80, s30, s19, $0xb8;
	[tilespmem:$0x1E080] =	vst v63  }
0x44: {  	_ =	swait.ge [sflag:s23], $0x3E80  }
.Ltmp0:
0x45: {  	[sflag:s23] =	ssyncset.done $0x0;
	(pc) =	sbr.rel @p1 .LBB2_2-.Ltmp0, $4  }
0x46: {  	s29 =	sadd.s32 $0x1480, s29;
	[sflag:s23] =	ssyncadd.s32 $0xFFFFC180  }
0x47: {  	[spmem:s3] =	stream.indirect.scatter.add.f32 [tilespmem:s21], [sflag:$0x3], $0x80, s29, s19, $0xb8;
	[tilespmem:$0x1E080] =	vst v63  }
0x48: {  	_ =	swait.ge [sflag:s17], $0x3E80  }
0x49: {  	s30 =	smov.u32 s2;
	s29 =	sshra.s32 s0, $0x2;
	[sflag:s17] =	ssyncset.done $0x0  }
0x4a: {  	s0 =	sadd.s32 $0x80, s29;
	[sflag:s17] =	ssyncadd.s32 $0xFFFFC180  }
0x4b: {  	[tilespmem:s21], [sflag:$0x2] =	stream.indirect.gather [hbm4b:s1+s19], $0x80, s0, s19, $0xb8;
	[tilespmem:$0x1E080] =	vst v63  }
0x4c: {  	_ =	swait.ge [sflag:s22], $0x3E80  }
0x4d: {  	[sflag:s22] =	ssyncset.done $0x0  }
0x4e: {  	s2 =	sadd.s32 $0x1400, s29;
	[sflag:s22] =	ssyncadd.s32 $0xFFFFC180  }
0x4f: {  	[spmem:s3] =	stream.indirect.scatter.add.f32 [tilespmem:s20], [sflag:$0x3], $0x80, s2, s19, $0xb8;
	[tilespmem:$0x1E080] =	vst v63  }
0x50: {  	_ =	swait.ge [sflag:s17], $0x3E80  }
0x51: {  	[sflag:s17] =	ssyncset.done $0x0  }
0x52: {  	s31 =	sadd.s32 $0x100, s29;
	[sflag:s17] =	ssyncadd.s32 $0xFFFFC180  }
0x53: {  	[tilespmem:s20], [sflag:$0x1] =	stream.indirect.gather [hbm4b:s1+s19], $0x80, s31, s19, $0xb8;
	[tilespmem:$0x1E080] =	vst v63  }
0x54: {  	_ =	swait.ge [sflag:s23], $0x3E80  }
0x55: {  	[sflag:s23] =	ssyncset.done $0x0  }
0x56: {  	s2 =	sadd.s32 $0x1480, s29;
	[sflag:s23] =	ssyncadd.s32 $0xFFFFC180  }
0x57: {  	[spmem:s3] =	stream.indirect.scatter.add.f32 [tilespmem:s21], [sflag:$0x3], $0x80, s2, s19, $0xb8;
	[tilespmem:$0x1E080] =	vst v63  }
0x58: {  	_ =	swait.ge [sflag:s17], $0x3E80  }
0x59: {  	[sflag:s17] =	ssyncset.done $0x0  }
0x5a: {  	[sflag:s17] =	ssyncadd.s32 $0xFFFFC180  }
0x5b: {  	[tilespmem:s21], [sflag:$0x2] =	stream.indirect.gather [hbm4b:s1+s19], $0x80, s24, s19, $0xb8;
	[tilespmem:$0x1E080] =	vst v63  }
0x5c: {  	_ =	swait.ge [sflag:s22], $0x3E80  }
0x5d: {  	[sflag:s22] =	ssyncset.done $0x0  }
0x5e: {  	[sflag:s22] =	ssyncadd.s32 $0xFFFFC180  }
0x5f: {  	[spmem:s3] =	stream.indirect.scatter.add.f32 [tilespmem:s20], [sflag:$0x3], $0x80, s25, s19, $0xb8;
	[tilespmem:$0x1E080] =	vst v63  }
0x60: {  	_ =	swait.ge [sflag:s17], $0x3E80  }
0x61: {  	[sflag:s17] =	ssyncset.done $0x0  }
0x62: {  	[sflag:s17] =	ssyncadd.s32 $0xFFFFC180  }
0x63: {  	_ =	swait.ge [sflag:s23], $0x3E80  }
0x64: {  	[sflag:s23] =	ssyncset.done $0x0  }
0x65: {  	[sflag:s23] =	ssyncadd.s32 $0xFFFFC180  }
0x66: {  	[spmem:s3] =	stream.indirect.scatter.add.f32 [tilespmem:s21], [sflag:$0x3], $0x80, s26, s19, $0xb8;
	[tilespmem:$0x1E080] =	vst v63  }
0x67: {  	_ =	swait.ge [sflag:s17], $0x3E80  }
0x68: {  	[sflag:s17] =	ssyncset.done $0x0  }
0x69: {  	s31 =	simm.s32 $0x0;
	[sflag:s17] =	ssyncadd.s32 $0xFFFFC180  }
0x6a: {  	[tilespmem:s31], [sflag:$0x3] =	stream.linear.gather [hbm4b:s12+s31], $0x1400, $0x38;
	[tilespmem:$0x1E080] =	vst v63  }
0x6b: {  	_ =	swait.ge [sflag:s17], $0x1400  }
0x6c: {  	[sflag:s17] =	ssyncset.done $0x0  }
0x6d: {  	[sflag:s17] =	ssyncadd.s32 $0xFFFFEC00  }
0x6e: {  	[tilespmem:s18], [sflag:$0x3] =	stream.linear.gather [hbm4b:s13+s31], $0x1400, $0x38;
	[tilespmem:$0x1E080] =	vst v63  }
0x6f: {  	_ =	swait.ge [sflag:s17], $0x1400  }
0x70: {  	[sflag:s17] =	ssyncset.done $0x0  }
0x71: {  	[sflag:s17] =	ssyncadd.s32 $0xFFFFEC00  }
0x72: {  	[tilespmem:s20], [sflag:$0x1] =	stream.indirect.gather [hbm4b:s1+s19], $0x80, s31, s19, $0xb8;
	[tilespmem:$0x1E080] =	vst v63  }
0x73: {  	s2 =	simm.s32 $0x80  }
0x74: {  	[tilespmem:s21], [sflag:$0x2] =	stream.indirect.gather [hbm4b:s1+s19], $0x80, s2, s19, $0xb8;
	[tilespmem:$0x1E080] =	vst v63  }
0x75: {  	_ =	swait.ge [sflag:s22], $0x3E80  }
0x76: {  	[sflag:s22] =	ssyncset.done $0x0  }
0x77: {  	s31 =	simm.s32 $0x1400;
	[sflag:s22] =	ssyncadd.s32 $0xFFFFC180  }
0x78: {  	[spmem:s3] =	stream.indirect.scatter.add.f32 [tilespmem:s20], [sflag:$0x3], $0x80, s31, s19, $0xb8;
	[tilespmem:$0x1E080] =	vst v63  }
0x79: {  	_ =	swait.ge [sflag:s17], $0x3E80  }
0x7a: {  	[sflag:s17] =	ssyncset.done $0x0  }
0x7b: {  	s2 =	simm.s32 $0x100;
	[sflag:s17] =	ssyncadd.s32 $0xFFFFC180  }
0x7c: {  	[tilespmem:s20], [sflag:$0x1] =	stream.indirect.gather [hbm4b:s1+s19], $0x80, s2, s19, $0xb8;
	[tilespmem:$0x1E080] =	vst v63  }
0x7d: {  	_ =	swait.ge [sflag:s23], $0x3E80  }
0x7e: {  	[sflag:s23] =	ssyncset.done $0x0  }
0x7f: {  	s31 =	simm.s32 $0x1480;
	[sflag:s23] =	ssyncadd.s32 $0xFFFFC180  }
0x80: {  	[spmem:s3] =	stream.indirect.scatter.add.f32 [tilespmem:s21], [sflag:$0x3], $0x80, s31, s19, $0xb8;
	[tilespmem:$0x1E080] =	vst v63  }
0x81: {  	_ =	swait.ge [sflag:s17], $0x3E80  }
0x82: {  	s30 =	simm.s32 $0x800;
	s29 =	simm.s32 $0x100;
	[sflag:s17] =	ssyncset.done $0x0  }
.LBB2_4:
0x83: {  	s0 =	sadd.s32 $0x80, s29  }
0x84: {  	[sflag:s17] =	ssyncadd.s32 $0xFFFFC180;
	s2 =	smov.u32 s30;
	s31 =	sadd.s32 $0x400, s30  }
0x85: {  	[tilespmem:s21], [sflag:$0x2] =	stream.indirect.gather [hbm4b:s1+s19], $0x80, s0, s19, $0xb8;
	[tilespmem:$0x1E080] =	vst v63  }
0x86: {  	p1 =	sne.s32 s30, $0x4800;
	_ =	swait.ge [sflag:s22], $0x3E80  }
0x87: {  	[sflag:s22] =	ssyncset.done $0x0  }
0x88: {  	s0 =	sadd.s32 $0x1400, s29;
	[sflag:s22] =	ssyncadd.s32 $0xFFFFC180  }
0x89: {  	[spmem:s3] =	stream.indirect.scatter.add.f32 [tilespmem:s20], [sflag:$0x3], $0x80, s0, s19, $0xb8;
	[tilespmem:$0x1E080] =	vst v63  }
0x8a: {  	_ =	swait.ge [sflag:s17], $0x3E80  }
0x8b: {  	[sflag:s17] =	ssyncset.done $0x0  }
0x8c: {  	s0 =	sadd.s32 $0x100, s29;
	[sflag:s17] =	ssyncadd.s32 $0xFFFFC180  }
0x8d: {  	[tilespmem:s20], [sflag:$0x1] =	stream.indirect.gather [hbm4b:s1+s19], $0x80, s0, s19, $0xb8;
	[tilespmem:$0x1E080] =	vst v63  }
0x8e: {  	_ =	swait.ge [sflag:s23], $0x3E80  }
.Ltmp1:
0x8f: {  	[sflag:s23] =	ssyncset.done $0x0;
	(pc) =	sbr.rel @p1 .LBB2_4-.Ltmp1, $4  }
0x90: {  	s0 =	sadd.s32 $0x1480, s29;
	[sflag:s23] =	ssyncadd.s32 $0xFFFFC180  }
0x91: {  	[spmem:s3] =	stream.indirect.scatter.add.f32 [tilespmem:s21], [sflag:$0x3], $0x80, s0, s19, $0xb8;
	[tilespmem:$0x1E080] =	vst v63  }
0x92: {  	_ =	swait.ge [sflag:s17], $0x3E80  }
0x93: {  	s30 =	smov.u32 s31;
	s29 =	sshra.s32 s2, $0x2;
	[sflag:s17] =	ssyncset.done $0x0  }
0x94: {  	s0 =	sadd.s32 $0x80, s29;
	[sflag:s17] =	ssyncadd.s32 $0xFFFFC180  }
0x95: {  	[tilespmem:s21], [sflag:$0x2] =	stream.indirect.gather [hbm4b:s1+s19], $0x80, s0, s19, $0xb8;
	[tilespmem:$0x1E080] =	vst v63  }
0x96: {  	_ =	swait.ge [sflag:s22], $0x3E80  }
0x97: {  	[sflag:s22] =	ssyncset.done $0x0  }
0x98: {  	s2 =	sadd.s32 $0x1400, s29;
	[sflag:s22] =	ssyncadd.s32 $0xFFFFC180  }
0x99: {  	[spmem:s3] =	stream.indirect.scatter.add.f32 [tilespmem:s20], [sflag:$0x3], $0x80, s2, s19, $0xb8;
	[tilespmem:$0x1E080] =	vst v63  }
0x9a: {  	_ =	swait.ge [sflag:s17], $0x3E80  }
0x9b: {  	[sflag:s17] =	ssyncset.done $0x0  }
0x9c: {  	s30 =	sadd.s32 $0x100, s29;
	[sflag:s17] =	ssyncadd.s32 $0xFFFFC180  }
0x9d: {  	[tilespmem:s20], [sflag:$0x1] =	stream.indirect.gather [hbm4b:s1+s19], $0x80, s30, s19, $0xb8;
	[tilespmem:$0x1E080] =	vst v63  }
0x9e: {  	_ =	swait.ge [sflag:s23], $0x3E80  }
0x9f: {  	[sflag:s23] =	ssyncset.done $0x0  }
0xa0: {  	s31 =	sadd.s32 $0x1480, s29;
	[sflag:s23] =	ssyncadd.s32 $0xFFFFC180  }
0xa1: {  	[spmem:s3] =	stream.indirect.scatter.add.f32 [tilespmem:s21], [sflag:$0x3], $0x80, s31, s19, $0xb8;
	[tilespmem:$0x1E080] =	vst v63  }
0xa2: {  	_ =	swait.ge [sflag:s17], $0x3E80  }
0xa3: {  	[sflag:s17] =	ssyncset.done $0x0  }
0xa4: {  	[sflag:s17] =	ssyncadd.s32 $0xFFFFC180  }
0xa5: {  	[tilespmem:s21], [sflag:$0x2] =	stream.indirect.gather [hbm4b:s1+s19], $0x80, s24, s19, $0xb8;
	[tilespmem:$0x1E080] =	vst v63  }
0xa6: {  	_ =	swait.ge [sflag:s22], $0x3E80  }
0xa7: {  	[sflag:s22] =	ssyncset.done $0x0  }
0xa8: {  	[sflag:s22] =	ssyncadd.s32 $0xFFFFC180  }
0xa9: {  	[spmem:s3] =	stream.indirect.scatter.add.f32 [tilespmem:s20], [sflag:$0x3], $0x80, s25, s19, $0xb8;
	[tilespmem:$0x1E080] =	vst v63  }
0xaa: {  	_ =	swait.ge [sflag:s17], $0x3E80  }
0xab: {  	[sflag:s17] =	ssyncset.done $0x0  }
0xac: {  	[sflag:s17] =	ssyncadd.s32 $0xFFFFC180  }
0xad: {  	_ =	swait.ge [sflag:s23], $0x3E80  }
0xae: {  	[sflag:s23] =	ssyncset.done $0x0  }
0xaf: {  	[sflag:s23] =	ssyncadd.s32 $0xFFFFC180  }
0xb0: {  	[spmem:s3] =	stream.indirect.scatter.add.f32 [tilespmem:s21], [sflag:$0x3], $0x80, s26, s19, $0xb8;
	[tilespmem:$0x1E080] =	vst v63  }
0xb1: {  	_ =	swait.ge [sflag:s17], $0x3E80  }
0xb2: {  	[sflag:s17] =	ssyncset.done $0x0  }
0xb3: {  	[sflag:s17] =	ssyncadd.s32 $0xFFFFC180  }
0xb4: {  	s0 =	simm.s32 @p0 $0x1FC3;
	[bflag:$0x0] =	sbarrier.arrive $0xFFFF  }
0xb5: {  	[hbm:s8], [sflag:s0] =	dma.local @p0 [spmem:s14], $0x2080  }
0xb6: {  	s0 =	simm.s32 @p0 $0x3  }
0xb7: {  	s28 =	sadd.s32 $0x1, s28;
	_ =	swait.ge @p0 [sflag:s0], $0x2080  }
0xb8: {  	p1 =	sne.s32 s28, s9;
	[sflag:s0] =	ssyncset.done @p0 $0x0  }
.Ltmp2:
0xb9: {  	[sflag:s0] =	ssyncadd.s32 @p0 $0xFFFFDF80;
	s0 =	simm.s32 @!p0 $0x3;
	(pc) =	sbr.rel @p1 .LBB2_1-.Ltmp2, $4  }
0xba: {  	[hbm:s7], [sflag:s15] =	dma.local @!p0 [spmem:s16], $0x2780  }
0xbb: {  	_ =	swait.ge @!p0 [sflag:s0], $0x2780  }
0xbc: {  	[sflag:s0] =	ssyncset.done @!p0 $0x0  }
0xbd: {  	[sflag:s0] =	ssyncadd.s32 @!p0 $0xFFFFD880  }
0xbe: {  	_ =	sfence.sel $0x180000  }
0xbf: {  	[bflag:$0x0] =	sbarrier.arrive $0xFFFF  }
0xc0: {  	_ =	strace $0x9000004A  }
0xc1: {  	s0 =	stileid.u32;
	[bflag:$0x2] =	sbarrier.arrive $0xFFFF  }
0xc2: {  	p0 =	sne.s32 s0, $0x0;
	s0 =	rddreg [dreg:$0x3]  }
0xc3: {  	s0 =	sadd.s32 @!p0 $0x100000, s0  }
0xc4: {  	[sflag:s0] =	ssyncadd.tile.s32 @!p0 $0x1;
	_ =	shalt  }
.Lfunc_end2:
_tile_overlayer_lowered:
.L_overlay_start_2:
0xc5: {  	(tag) =	ssettag $0x2  }
0xc6: {  	s0 =	rddreg [dreg:$0x0];
	s2 =	stileid.u32  }
0xc7: {  	s1 =	rddreg [dreg:$0x1];
	p0 =	sne.s32 s2, $0x0  }
0xc8: {  	s3 =	rddreg [dreg:$0x2];
	[bflag:$0x3] =	sbarrier.arrive $0xFFFF;
	s2 =	simm.s32 @!p0 $0x1C03  }
0xc9: {  	[timem:s3], [sflag:s2] =	dma.local @!p0 [hbm:s0], s1  }
0xca: {  	s0 =	simm.s32 @!p0 $0x3  }
0xcb: {  	_ =	swait.ge @!p0 [sflag:s0], s1  }
0xcc: {  	s1 =	ssub.s32 @!p0 $0x0, s1;
	[sflag:s0] =	ssyncset.done @!p0 $0x0  }
0xcd: {  	[sflag:s0] =	ssyncadd.s32 @!p0 s1  }
0xce: {  	[bflag:$0x3] =	sbarrier.arrive $0xFFFF  }
0xcf: {  	_ =	shalt  }

</sc_bundles>
